<compile_context>
chip_gen: v7x
topology: tpu7x:2x2x1
jax: 0.10.2.dev20260603
libtpu: 0.0.44.dev20260713+nightly
codegen_flags: <defaults>
</compile_context>

<pallas_src>
import functools

import jax
import jax.numpy as jnp
from jax import lax
from jax.experimental import pallas as pl
from jax.experimental.pallas import tpu as pltpu
from jax.experimental.pallas import tpu_sc as plsc

N0 = 10000
N1 = 4096
N2 = 1024
E0 = 320000
E1 = 65536
D = 128
H = 128

NC = 2
NS = 16
NW = NC * NS
CH = 128


def _make_seg_sum(e_pad: int, n_stage: int, n_acc: int, nr: int, ch: int = CH):
    per_w = e_pad // NW
    nb = per_w // ch
    assert per_w % CH == 0 and e_pad % NW == 0 and n_acc % 16 == 0
    assert nb % nr == 0 and nb >= 2 * nr
    assert n_stage % NS == 0 and n_acc % NS == 0
    st_rows = n_stage // NS
    ac_rows = n_acc // NS

    mesh = plsc.VectorSubcoreMesh(core_axis_name="c", subcore_axis_name="s")

    @functools.partial(
        pl.kernel,
        out_type=(
            jax.ShapeDtypeStruct((NC, n_acc, D), jnp.float32),
            jax.ShapeDtypeStruct((NW, n_acc), jnp.float32),
        ),
        mesh=mesh,
        compiler_params=pltpu.CompilerParams(needs_layout_passes=False),
        scratch_types=[
            pltpu.VMEM((nb, ch), jnp.int32),
            pltpu.VMEM((nb, ch), jnp.int32),
            pltpu.VMEM((nr, ch, D), jnp.float32),
            pltpu.VMEM((n_acc,), jnp.float32),
            pltpu.VMEM_SHARED((n_stage, D), jnp.float32),
            pltpu.VMEM_SHARED((n_acc, D), jnp.float32),
            pltpu.SemaphoreType.DMA,
            pltpu.SemaphoreType.DMA,
            pltpu.SemaphoreType.DMA,
            pltpu.SemaphoreType.DMA,
            pltpu.SemaphoreType.DMA,
            pltpu.SemaphoreType.DMA,
            pltpu.SemaphoreType.DMA,
            pltpu.SemaphoreType.DMA,
        ],
    )
    def seg_kernel(x_hbm, src_hbm, dst_hbm, zagg_hbm, zhist_hbm,
                   agg_out, cnt_out,
                   srcb_v, dstb_v, rows_v, hist_v, x_sh, agg_sh,
                   *sems):
        c = lax.axis_index("c")
        s = lax.axis_index("s")
        wid = s * NC + c
        gsem = sems[:nr]
        ssem = sems[4:4 + nr]

        pltpu.sync_copy(zagg_hbm.at[pl.ds(s * ac_rows, ac_rows)],
                        agg_sh.at[pl.ds(s * ac_rows, ac_rows)])
        pltpu.sync_copy(x_hbm.at[pl.ds(s * st_rows, st_rows)],
                        x_sh.at[pl.ds(s * st_rows, st_rows)])
        pltpu.sync_copy(zhist_hbm, hist_v)
        row0 = wid * nb
        pltpu.sync_copy(src_hbm.at[pl.ds(row0, nb)], srcb_v)
        pltpu.sync_copy(dst_hbm.at[pl.ds(row0, nb)], dstb_v)
        plsc.subcore_barrier()

        ones = jnp.ones((16,), jnp.float32)

        for b in range(nr - 1):
            pltpu.async_copy(x_sh.at[srcb_v.at[b]], rows_v.at[b], gsem[b])

        def block(i, carry):
            for b in range(nr):
                k = nr * i + b
                pltpu.make_async_copy(
                    x_sh.at[srcb_v.at[k]], rows_v.at[b], gsem[b]).wait()
                pltpu.async_copy(
                    rows_v.at[b], agg_sh.at[dstb_v.at[k]], ssem[b], add=True)
                for j in range(ch // 16):
                    dv = dstb_v[k, pl.ds(j * 16, 16)]
                    plsc.addupdate_scatter(hist_v, [dv], ones)
                nxt = (b + nr - 1) % nr

                @pl.when(k + nr - 1 < nb)
                def _refill():
                    @pl.when(k > 0)
                    def _drain():
                        pltpu.make_async_copy(
                            rows_v.at[nxt],
                            agg_sh.at[dstb_v.at[k]],
                            ssem[nxt]).wait()
                    pltpu.async_copy(
                        x_sh.at[srcb_v.at[k + nr - 1]], rows_v.at[nxt],
                        gsem[nxt])
            return carry

        lax.fori_loop(0, nb // nr, block, 0)
        for b in range(nr):
            k = nb - nr + b
            pltpu.make_async_copy(
                rows_v.at[k % nr], agg_sh.at[dstb_v.at[k]],
                ssem[k % nr]).wait()

        pltpu.sync_copy(hist_v, cnt_out.at[wid])
        plsc.subcore_barrier()
        pltpu.sync_copy(agg_sh.at[pl.ds(s * ac_rows, ac_rows)],
                        agg_out.at[c, pl.ds(s * ac_rows, ac_rows)])

    return seg_kernel


def _combine(agg_parts, cnt_t, x_dst, w_l, b, w_r, leaky: bool):
    n = x_dst.shape[0]

    def body(ap, cp, xd, wl, bb, wr, o):
        agg = ap[0, :n, :] + ap[1, :n, :]
        cnt = jnp.sum(cp[...], axis=1, keepdims=True)
        mean = agg / jnp.maximum(cnt, 1.0)
        r = (lax.dot_general(mean, wl[...], (((1,), (1,)), ((), ())),
                             preferred_element_type=jnp.float32)
             + bb[...]
             + lax.dot_general(xd[...], wr[...], (((1,), (1,)), ((), ())),
                               preferred_element_type=jnp.float32))
        if leaky:
            r = jnp.where(r >= 0, r, 0.01 * r)
        o[...] = r

    return pl.pallas_call(
        body,
        out_shape=jax.ShapeDtypeStruct((n, H), jnp.float32),
    )(agg_parts, cnt_t, x_dst, w_l, b.reshape(1, H), w_r)


_BLK = NW * CH * 4
E0_PAD = ((E0 + _BLK - 1) // _BLK) * _BLK
E1_PAD = ((E1 + _BLK - 1) // _BLK) * _BLK
NACC0 = 33 * 128
NACC1 = 9 * 128

CH0 = CH
_seg0 = _make_seg_sum(E0_PAD, N1, NACC0, nr=2, ch=CH0)
_seg1 = _make_seg_sum(E1_PAD, N2, NACC1, nr=4)


def _pad_edges(ei, e_pad, n_dst, ch=CH):
    src, dst = ei[0], ei[1]
    pad = e_pad - src.shape[0]
    if pad:
        src = jnp.concatenate([src, jnp.zeros((pad,), src.dtype)])
        dst = jnp.concatenate([dst, jnp.full((pad,), n_dst, dst.dtype)])
    return src.reshape(e_pad // ch, ch), dst.reshape(e_pad // ch, ch)


def kernel(x, edge_index_0, edge_index_1, W1_l, b1, W1_r, W2_l, b2, W2_r):
    src0, dst0 = _pad_edges(edge_index_0, E0_PAD, N1, ch=CH0)
    src1, dst1 = _pad_edges(edge_index_1, E1_PAD, N2)

    zagg0 = jnp.zeros((NACC0, D), jnp.float32)
    zh0 = jnp.zeros((NACC0,), jnp.float32)
    zagg1 = jnp.zeros((NACC1, D), jnp.float32)
    zh1 = jnp.zeros((NACC1,), jnp.float32)

    agg0, cnt0 = _seg0(x, src0, dst0, zagg0, zh0)
    h = _combine(agg0, cnt0[:, :N1].T, x[:N1], W1_l, b1, W1_r, leaky=True)
    agg1, cnt1 = _seg1(h, src1, dst1, zagg1, zh1)
    out = _combine(agg1, cnt1[:, :N2].T, h[:N2], W2_l, b2, W2_r, leaky=False)
    return out

# --- scband reference (transcript-rebuilt; emitter-appended) ---
"""Pipeline reference for scband-gnn-80891414053328 (READ-ONLY COPY).

The authoritative reference and input builder live on the scoring server;
editing this copy changes nothing except your own understanding.
"""

import jax, jax.numpy as jnp
import numpy as np

N0 = 10000  # total sampled nodes (layer-0 src)
N1 = 4096   # layer-0 dst / layer-1 src
N2 = 1024   # layer-1 dst (batch target nodes)
E0 = 320000
E1 = 65536
D = 128
H = 128


def _sage_conv(x_src, x_dst, edge_index, W_l, b_l, W_r):
    # PyG SAGEConv (aggr='mean', root_weight=True, bias in lin_l):
    #   out = lin_l(mean_j x_src[src_j]) + lin_r(x_dst)
    src = edge_index[0]
    dst = edge_index[1]
    msgs = jnp.take(x_src, src, axis=0)
    n_dst = x_dst.shape[0]
    agg = jax.ops.segment_sum(msgs, dst, num_segments=n_dst)
    cnt = jax.ops.segment_sum(jnp.ones((msgs.shape[0],), dtype=msgs.dtype), dst, num_segments=n_dst)
    mean = agg / jnp.maximum(cnt, 1.0)[:, None]
    return mean @ W_l.T + b_l + x_dst @ W_r.T


def setup_inputs(seed: int = 0) -> dict:
    key = jax.random.key(seed)
    ks = jax.random.split(key, 9)
    x = jax.random.normal(ks[0], (N0, D), dtype=jnp.float32)
    # dst values must be < size[1]; clamp src to same range (valid subset of src ids)
    edge_index_0 = jax.random.randint(ks[1], (2, E0), 0, N1)
    edge_index_1 = jax.random.randint(ks[2], (2, E1), 0, N2)
    s1 = 1.0 / np.sqrt(D)
    s2 = 1.0 / np.sqrt(H)
    W1_l = jax.random.uniform(ks[3], (H, D), minval=-s1, maxval=s1, dtype=jnp.float32)
    b1 = jax.random.uniform(ks[4], (H,), minval=-s1, maxval=s1, dtype=jnp.float32)
    W1_r = jax.random.uniform(ks[5], (H, D), minval=-s1, maxval=s1, dtype=jnp.float32)
    W2_l = jax.random.uniform(ks[6], (H, H), minval=-s2, maxval=s2, dtype=jnp.float32)
    b2 = jax.random.uniform(ks[7], (H,), minval=-s2, maxval=s2, dtype=jnp.float32)
    W2_r = jax.random.uniform(ks[8], (H, H), minval=-s2, maxval=s2, dtype=jnp.float32)
    return {"x": x, "edge_index_0": edge_index_0, "edge_index_1": edge_index_1,
            "W1_l": W1_l, "b1": b1, "W1_r": W1_r, "W2_l": W2_l, "b2": b2, "W2_r": W2_r}


def reference(x, edge_index_0, edge_index_1, W1_l, b1, W1_r, W2_l, b2, W2_r):
    # Layer 0: bipartite (x[:N0] -> x[:N1])
    x_tgt = x[:N1]
    h = _sage_conv(x, x_tgt, edge_index_0, W1_l, b1, W1_r)
    # leaky_relu (negative_slope=0.01); dropout is identity in eval mode
    h = jnp.where(h >= 0, h, 0.01 * h)
    # Layer 1: bipartite (h[:N1] -> h[:N2])
    h_tgt = h[:N2]
    out = _sage_conv(h, h_tgt, edge_index_1, W2_l, b2, W2_r)
    return out

if __name__ == "__main__":
    import jax
    _d = setup_inputs()
    print(jax.jit(kernel)(*tuple(_d.values())))

</pallas_src>

<mosaic_0001>
#map = affine_map<(d0, d1) -> (0, 0)>
#map1 = affine_map<(d0, d1) -> (0)>
#map2 = affine_map<(d0, d1) -> (0, 0, 0)>
module attributes {stable_mosaic.version = 14 : i64} {
  func.func @seg_kernel(%arg0: i32, %arg1: i32, %arg2: memref<10000x128xf32, #tpu.memory_space<hbm>>, %arg3: memref<2560x128xi32, #tpu.memory_space<hbm>>, %arg4: memref<2560x128xi32, #tpu.memory_space<hbm>>, %arg5: memref<4224x128xf32, #tpu.memory_space<hbm>>, %arg6: memref<4224xf32, #tpu.memory_space<hbm>>, %arg7: memref<2x4224x128xf32, #tpu.memory_space<hbm>>, %arg8: memref<32x4224xf32, #tpu.memory_space<hbm>>, %arg9: memref<80x128xi32, #tpu.memory_space<vmem>>, %arg10: memref<80x128xi32, #tpu.memory_space<vmem>>, %arg11: memref<2x128x128xf32, #tpu.memory_space<vmem>>, %arg12: memref<4224xf32, #tpu.memory_space<vmem>>, %arg13: memref<4096x128xf32, #tpu.memory_space<vmem_shared>>, %arg14: memref<4224x128xf32, #tpu.memory_space<vmem_shared>>, %arg15: memref<!tpu.dma_semaphore, #tpu.memory_space<semaphore_mem>>, %arg16: memref<!tpu.dma_semaphore, #tpu.memory_space<semaphore_mem>>, %arg17: memref<!tpu.dma_semaphore, #tpu.memory_space<semaphore_mem>>, %arg18: memref<!tpu.dma_semaphore, #tpu.memory_space<semaphore_mem>>, %arg19: memref<!tpu.dma_semaphore, #tpu.memory_space<semaphore_mem>>, %arg20: memref<!tpu.dma_semaphore, #tpu.memory_space<semaphore_mem>>, %arg21: memref<!tpu.dma_semaphore, #tpu.memory_space<semaphore_mem>>, %arg22: memref<!tpu.dma_semaphore, #tpu.memory_space<semaphore_mem>>) attributes {dimension_semantics = [#tpu.dimension_semantics<core_parallel>, #tpu.dimension_semantics<subcore_parallel>], iteration_bounds = array<i64: 2, 16>, scalar_prefetch = 0 : i64, scratch_operands = 14 : i64, tpu.core_type = #tpu.core_type<sc_vector_subcore>, window_params = [{transform_indices = #map}, {transform_indices = #map}, {transform_indices = #map}, {transform_indices = #map}, {transform_indices = #map1}, {transform_indices = #map2}, {transform_indices = #map}]} {
    %mul3A = arith.constant 2 : i32
    %mul3A_0 = arith.muli %arg1, %mul3A : i32
    %add3A = arith.addi %mul3A_0, %arg0 : i32
    %mul3A_1 = arith.constant 264 : i32
    %mul3A_2 = arith.muli %arg1, %mul3A_1 : i32
    %mul3A_3 = arith.constant 264 : i32
    %mul3A_4 = arith.muli %arg1, %mul3A_3 : i32
    "tpu.region"() ({
      %run_scoped3A = tpu.sem_alloc : memref<!tpu.dma_semaphore, #tpu.memory_space<semaphore_mem>>
      %dma_start3A_56 = arith.constant 0 : i32
      %dma_start3A_57 = tpu.memref_slice %arg14[%mul3A_4, %dma_start3A_56] : memref<4224x128xf32, #tpu.memory_space<vmem_shared>> -> memref<264x128xf32, #tpu.memory_space<vmem_shared>>
      %dma_start3A_58 = arith.constant 0 : i32
      %dma_start3A_59 = tpu.memref_slice %arg5[%mul3A_2, %dma_start3A_58] : memref<4224x128xf32, #tpu.memory_space<hbm>> -> memref<264x128xf32, #tpu.memory_space<hbm>>
      tpu.enqueue_dma source(%dma_start3A_59 : memref<264x128xf32, #tpu.memory_space<hbm>>) target(%dma_start3A_57 : memref<264x128xf32, #tpu.memory_space<vmem_shared>>) target_semaphore(%run_scoped3A : memref<!tpu.dma_semaphore, #tpu.memory_space<semaphore_mem>>)
      %dma_wait3A_60 = arith.constant 0 : i32
      %dma_wait3A_61 = tpu.memref_slice %arg14[%mul3A_4, %dma_wait3A_60] : memref<4224x128xf32, #tpu.memory_space<vmem_shared>> -> memref<264x128xf32, #tpu.memory_space<vmem_shared>>
      %dma_wait3A_62 = arith.constant 0 : i32
      %dma_wait3A_63 = tpu.memref_slice %arg5[%mul3A_2, %dma_wait3A_62] : memref<4224x128xf32, #tpu.memory_space<hbm>> -> memref<264x128xf32, #tpu.memory_space<hbm>>
      tpu.wait_dma2 semaphore(%run_scoped3A : memref<!tpu.dma_semaphore, #tpu.memory_space<semaphore_mem>>) src(%dma_wait3A_63 : memref<264x128xf32, #tpu.memory_space<hbm>>) dst(%dma_wait3A_61 : memref<264x128xf32, #tpu.memory_space<vmem_shared>>)
      tpu.yield
    }) : () -> ()
    %mul3A_5 = arith.constant 256 : i32
    %mul3A_6 = arith.muli %arg1, %mul3A_5 : i32
    %mul3A_7 = arith.constant 256 : i32
    %mul3A_8 = arith.muli %arg1, %mul3A_7 : i32
    "tpu.region"() ({
      %run_scoped3A = tpu.sem_alloc : memref<!tpu.dma_semaphore, #tpu.memory_space<semaphore_mem>>
      %dma_start3A_56 = arith.constant 0 : i32
      %dma_start3A_57 = tpu.memref_slice %arg13[%mul3A_8, %dma_start3A_56] : memref<4096x128xf32, #tpu.memory_space<vmem_shared>> -> memref<256x128xf32, #tpu.memory_space<vmem_shared>>
      %dma_start3A_58 = arith.constant 0 : i32
      %dma_start3A_59 = tpu.memref_slice %arg2[%mul3A_6, %dma_start3A_58] : memref<10000x128xf32, #tpu.memory_space<hbm>> -> memref<256x128xf32, #tpu.memory_space<hbm>>
      tpu.enqueue_dma source(%dma_start3A_59 : memref<256x128xf32, #tpu.memory_space<hbm>>) target(%dma_start3A_57 : memref<256x128xf32, #tpu.memory_space<vmem_shared>>) target_semaphore(%run_scoped3A : memref<!tpu.dma_semaphore, #tpu.memory_space<semaphore_mem>>)
      %dma_wait3A_60 = arith.constant 0 : i32
      %dma_wait3A_61 = tpu.memref_slice %arg13[%mul3A_8, %dma_wait3A_60] : memref<4096x128xf32, #tpu.memory_space<vmem_shared>> -> memref<256x128xf32, #tpu.memory_space<vmem_shared>>
      %dma_wait3A_62 = arith.constant 0 : i32
      %dma_wait3A_63 = tpu.memref_slice %arg2[%mul3A_6, %dma_wait3A_62] : memref<10000x128xf32, #tpu.memory_space<hbm>> -> memref<256x128xf32, #tpu.memory_space<hbm>>
      tpu.wait_dma2 semaphore(%run_scoped3A : memref<!tpu.dma_semaphore, #tpu.memory_space<semaphore_mem>>) src(%dma_wait3A_63 : memref<256x128xf32, #tpu.memory_space<hbm>>) dst(%dma_wait3A_61 : memref<256x128xf32, #tpu.memory_space<vmem_shared>>)
      tpu.yield
    }) : () -> ()
    "tpu.region"() ({
      %run_scoped3A = tpu.sem_alloc : memref<!tpu.dma_semaphore, #tpu.memory_space<semaphore_mem>>
      tpu.enqueue_dma source(%arg6 : memref<4224xf32, #tpu.memory_space<hbm>>) target(%arg12 : memref<4224xf32, #tpu.memory_space<vmem>>) target_semaphore(%run_scoped3A : memref<!tpu.dma_semaphore, #tpu.memory_space<semaphore_mem>>)
      tpu.wait_dma2 semaphore(%run_scoped3A : memref<!tpu.dma_semaphore, #tpu.memory_space<semaphore_mem>>) src(%arg6 : memref<4224xf32, #tpu.memory_space<hbm>>) dst(%arg12 : memref<4224xf32, #tpu.memory_space<vmem>>)
      tpu.yield
    }) : () -> ()
    %mul3A_9 = arith.constant 80 : i32
    %mul3A_10 = arith.muli %add3A, %mul3A_9 : i32
    "tpu.region"() ({
      %run_scoped3A = tpu.sem_alloc : memref<!tpu.dma_semaphore, #tpu.memory_space<semaphore_mem>>
      %dma_start3A_56 = arith.constant 0 : i32
      %dma_start3A_57 = tpu.memref_slice %arg3[%mul3A_10, %dma_start3A_56] : memref<2560x128xi32, #tpu.memory_space<hbm>> -> memref<80x128xi32, #tpu.memory_space<hbm>>
      %dma_start3A_58 = arith.constant 0 : i32
      %dma_start3A_59 = tpu.memref_slice %arg3[%mul3A_10, %dma_start3A_58] : memref<2560x128xi32, #tpu.memory_space<hbm>> -> memref<80x128xi32, #tpu.memory_space<hbm>>
      tpu.enqueue_dma source(%dma_start3A_59 : memref<80x128xi32, #tpu.memory_space<hbm>>) target(%arg9 : memref<80x128xi32, #tpu.memory_space<vmem>>) target_semaphore(%run_scoped3A : memref<!tpu.dma_semaphore, #tpu.memory_space<semaphore_mem>>)
      %dma_wait3A_60 = arith.constant 0 : i32
      %dma_wait3A_61 = tpu.memref_slice %arg3[%mul3A_10, %dma_wait3A_60] : memref<2560x128xi32, #tpu.memory_space<hbm>> -> memref<80x128xi32, #tpu.memory_space<hbm>>
      %dma_wait3A_62 = arith.constant 0 : i32
      %dma_wait3A_63 = tpu.memref_slice %arg3[%mul3A_10, %dma_wait3A_62] : memref<2560x128xi32, #tpu.memory_space<hbm>> -> memref<80x128xi32, #tpu.memory_space<hbm>>
      tpu.wait_dma2 semaphore(%run_scoped3A : memref<!tpu.dma_semaphore, #tpu.memory_space<semaphore_mem>>) src(%dma_wait3A_63 : memref<80x128xi32, #tpu.memory_space<hbm>>) dst(%arg9 : memref<80x128xi32, #tpu.memory_space<vmem>>)
      tpu.yield
    }) : () -> ()
    "tpu.region"() ({
      %run_scoped3A = tpu.sem_alloc : memref<!tpu.dma_semaphore, #tpu.memory_space<semaphore_mem>>
      %dma_start3A_56 = arith.constant 0 : i32
      %dma_start3A_57 = tpu.memref_slice %arg4[%mul3A_10, %dma_start3A_56] : memref<2560x128xi32, #tpu.memory_space<hbm>> -> memref<80x128xi32, #tpu.memory_space<hbm>>
      %dma_start3A_58 = arith.constant 0 : i32
      %dma_start3A_59 = tpu.memref_slice %arg4[%mul3A_10, %dma_start3A_58] : memref<2560x128xi32, #tpu.memory_space<hbm>> -> memref<80x128xi32, #tpu.memory_space<hbm>>
      tpu.enqueue_dma source(%dma_start3A_59 : memref<80x128xi32, #tpu.memory_space<hbm>>) target(%arg10 : memref<80x128xi32, #tpu.memory_space<vmem>>) target_semaphore(%run_scoped3A : memref<!tpu.dma_semaphore, #tpu.memory_space<semaphore_mem>>)
      %dma_wait3A_60 = arith.constant 0 : i32
      %dma_wait3A_61 = tpu.memref_slice %arg4[%mul3A_10, %dma_wait3A_60] : memref<2560x128xi32, #tpu.memory_space<hbm>> -> memref<80x128xi32, #tpu.memory_space<hbm>>
      %dma_wait3A_62 = arith.constant 0 : i32
      %dma_wait3A_63 = tpu.memref_slice %arg4[%mul3A_10, %dma_wait3A_62] : memref<2560x128xi32, #tpu.memory_space<hbm>> -> memref<80x128xi32, #tpu.memory_space<hbm>>
      tpu.wait_dma2 semaphore(%run_scoped3A : memref<!tpu.dma_semaphore, #tpu.memory_space<semaphore_mem>>) src(%dma_wait3A_63 : memref<80x128xi32, #tpu.memory_space<hbm>>) dst(%arg10 : memref<80x128xi32, #tpu.memory_space<vmem>>)
      tpu.yield
    }) : () -> ()
    %barrier3A = arith.constant 0 : index
    tpu.barrier barrier_id(%barrier3A)
    %broadcast_in_dim3A = arith.constant 1.000000e+00 : f32
    %broadcast_in_dim3A_11 = vector.broadcast %broadcast_in_dim3A : f32 to vector<16xf32>
    %dma_start3A = arith.constant 0 : i32
    %dma_start3A_12 = arith.constant 0 : i32
    %dma_start3A_13 = arith.constant 0 : i32
    %dma_start3A_14 = arith.constant 0 : i32
    %dma_start3A_15 = tpu.memref_slice %arg11[%dma_start3A_12, %dma_start3A_13, %dma_start3A_14] : memref<2x128x128xf32, #tpu.memory_space<vmem>> -> memref<1x128x128xf32, #tpu.memory_space<vmem>>
    %dma_start3A_16 = tpu.memref_squeeze %dma_start3A_15 : memref<1x128x128xf32, #tpu.memory_space<vmem>> -> memref<128x128xf32, #tpu.memory_space<vmem>>
    %dma_start3A_17 = arith.constant 0 : i32
    %dma_start3A_18 = tpu.memref_slice %arg9[%dma_start3A, %dma_start3A_17] : memref<80x128xi32, #tpu.memory_space<vmem>> -> memref<1x128xi32, #tpu.memory_space<vmem>>
    %dma_start3A_19 = tpu.memref_squeeze %dma_start3A_18 : memref<1x128xi32, #tpu.memory_space<vmem>> -> memref<128xi32, #tpu.memory_space<vmem>>
    %dma_start3A_20 = arith.constant 0 : i32
    %dma_start3A_21 = arith.constant 0 : i32
    %dma_start3A_22 = tpu.memref_slice %arg13[%dma_start3A_20, %dma_start3A_21] : memref<4096x128xf32, #tpu.memory_space<vmem_shared>> -> memref<4096x128xf32, #tpu.memory_space<vmem_shared>>
    tpu.enqueue_indirect_dma source(%dma_start3A_22 : memref<4096x128xf32, #tpu.memory_space<vmem_shared>>) target(%dma_start3A_16 : memref<128x128xf32, #tpu.memory_space<vmem>>) offsets(%dma_start3A_19 : memref<128xi32, #tpu.memory_space<vmem>>) semaphore(%arg15 : memref<!tpu.dma_semaphore, #tpu.memory_space<semaphore_mem>>)
    %scan3A = arith.constant 0 : i32
    %scan3A_23 = arith.constant 0 : i32
    %scan3A_24 = arith.constant 40 : i32
    %scan3A_25 = arith.addi %scan3A_23, %scan3A_24 : i32
    %scan3A_26 = arith.constant 1 : i32
    scf.for %scan3A_56 = %scan3A_23 to %scan3A_25 step %scan3A_26  : i32 {
      %mul3A_57 = arith.constant 2 : i32
      %mul3A_58 = arith.muli %mul3A_57, %scan3A_56 : i32
      %add3A_59 = arith.constant 0 : i32
      %add3A_60 = arith.addi %mul3A_58, %add3A_59 : i32
      %dma_wait3A_61 = arith.constant 0 : i32
      %dma_wait3A_62 = arith.constant 0 : i32
      %dma_wait3A_63 = arith.constant 0 : i32
      %dma_wait3A_64 = tpu.memref_slice %arg11[%dma_wait3A_61, %dma_wait3A_62, %dma_wait3A_63] : memref<2x128x128xf32, #tpu.memory_space<vmem>> -> memref<1x128x128xf32, #tpu.memory_space<vmem>>
      %dma_wait3A_65 = tpu.memref_squeeze %dma_wait3A_64 : memref<1x128x128xf32, #tpu.memory_space<vmem>> -> memref<128x128xf32, #tpu.memory_space<vmem>>
      %dma_wait3A_66 = arith.constant 0 : i32
      %dma_wait3A_67 = tpu.memref_slice %arg9[%add3A_60, %dma_wait3A_66] : memref<80x128xi32, #tpu.memory_space<vmem>> -> memref<1x128xi32, #tpu.memory_space<vmem>>
      %dma_wait3A_68 = tpu.memref_squeeze %dma_wait3A_67 : memref<1x128xi32, #tpu.memory_space<vmem>> -> memref<128xi32, #tpu.memory_space<vmem>>
      %dma_wait3A_69 = arith.constant 0 : i32
      %dma_wait3A_70 = arith.constant 0 : i32
      %dma_wait3A_71 = tpu.memref_slice %arg13[%dma_wait3A_69, %dma_wait3A_70] : memref<4096x128xf32, #tpu.memory_space<vmem_shared>> -> memref<4096x128xf32, #tpu.memory_space<vmem_shared>>
      tpu.wait_indirect_dma semaphore(%arg15 : memref<!tpu.dma_semaphore, #tpu.memory_space<semaphore_mem>>) src(%dma_wait3A_71 : memref<4096x128xf32, #tpu.memory_space<vmem_shared>>) dst(%dma_wait3A_65 : memref<128x128xf32, #tpu.memory_space<vmem>>)
      %dma_start3A_72 = arith.constant 0 : i32
      %dma_start3A_73 = arith.constant 0 : i32
      %dma_start3A_74 = arith.constant 0 : i32
      %dma_start3A_75 = tpu.memref_slice %arg11[%dma_start3A_72, %dma_start3A_73, %dma_start3A_74] : memref<2x128x128xf32, #tpu.memory_space<vmem>> -> memref<1x128x128xf32, #tpu.memory_space<vmem>>
      %dma_start3A_76 = tpu.memref_squeeze %dma_start3A_75 : memref<1x128x128xf32, #tpu.memory_space<vmem>> -> memref<128x128xf32, #tpu.memory_space<vmem>>
      %dma_start3A_77 = arith.constant 0 : i32
      %dma_start3A_78 = tpu.memref_slice %arg10[%add3A_60, %dma_start3A_77] : memref<80x128xi32, #tpu.memory_space<vmem>> -> memref<1x128xi32, #tpu.memory_space<vmem>>
      %dma_start3A_79 = tpu.memref_squeeze %dma_start3A_78 : memref<1x128xi32, #tpu.memory_space<vmem>> -> memref<128xi32, #tpu.memory_space<vmem>>
      %dma_start3A_80 = arith.constant 0 : i32
      %dma_start3A_81 = arith.constant 0 : i32
      %dma_start3A_82 = tpu.memref_slice %arg14[%dma_start3A_80, %dma_start3A_81] : memref<4224x128xf32, #tpu.memory_space<vmem_shared>> -> memref<4224x128xf32, #tpu.memory_space<vmem_shared>>
      tpu.enqueue_indirect_dma source(%dma_start3A_76 : memref<128x128xf32, #tpu.memory_space<vmem>>) target(%dma_start3A_82 : memref<4224x128xf32, #tpu.memory_space<vmem_shared>>) offsets(%dma_start3A_79 : memref<128xi32, #tpu.memory_space<vmem>>) semaphore(%arg19 : memref<!tpu.dma_semaphore, #tpu.memory_space<semaphore_mem>>) {add = true}
      %get3A = arith.index_cast %add3A_60 : i32 to index
      %get3A_83 = arith.constant 0 : index
      %get3A_84 = tpu.vector_load %arg10[%get3A, %get3A_83] {strides = array<i32>} : memref<80x128xi32, #tpu.memory_space<vmem>>, vector<16xi32>,
      tpu.vector_store_idx %arg12[%get3A_84], %broadcast_in_dim3A_11 {add = true} : memref<4224xf32, #tpu.memory_space<vmem>>[vector<16xi32>], vector<16xf32>,
      %get3A_85 = arith.index_cast %add3A_60 : i32 to index
      %get3A_86 = arith.constant 16 : index
      %get3A_87 = tpu.vector_load %arg10[%get3A_85, %get3A_86] {strides = array<i32>} : memref<80x128xi32, #tpu.memory_space<vmem>>, vector<16xi32>,
      tpu.vector_store_idx %arg12[%get3A_87], %broadcast_in_dim3A_11 {add = true} : memref<4224xf32, #tpu.memory_space<vmem>>[vector<16xi32>], vector<16xf32>,
      %get3A_88 = arith.index_cast %add3A_60 : i32 to index
      %get3A_89 = arith.constant 32 : index
      %get3A_90 = tpu.vector_load %arg10[%get3A_88, %get3A_89] {strides = array<i32>} : memref<80x128xi32, #tpu.memory_space<vmem>>, vector<16xi32>,
      tpu.vector_store_idx %arg12[%get3A_90], %broadcast_in_dim3A_11 {add = true} : memref<4224xf32, #tpu.memory_space<vmem>>[vector<16xi32>], vector<16xf32>,
      %get3A_91 = arith.index_cast %add3A_60 : i32 to index
      %get3A_92 = arith.constant 48 : index
      %get3A_93 = tpu.vector_load %arg10[%get3A_91, %get3A_92] {strides = array<i32>} : memref<80x128xi32, #tpu.memory_space<vmem>>, vector<16xi32>,
      tpu.vector_store_idx %arg12[%get3A_93], %broadcast_in_dim3A_11 {add = true} : memref<4224xf32, #tpu.memory_space<vmem>>[vector<16xi32>], vector<16xf32>,
      %get3A_94 = arith.index_cast %add3A_60 : i32 to index
      %get3A_95 = arith.constant 64 : index
      %get3A_96 = tpu.vector_load %arg10[%get3A_94, %get3A_95] {strides = array<i32>} : memref<80x128xi32, #tpu.memory_space<vmem>>, vector<16xi32>,
      tpu.vector_store_idx %arg12[%get3A_96], %broadcast_in_dim3A_11 {add = true} : memref<4224xf32, #tpu.memory_space<vmem>>[vector<16xi32>], vector<16xf32>,
      %get3A_97 = arith.index_cast %add3A_60 : i32 to index
      %get3A_98 = arith.constant 80 : index
      %get3A_99 = tpu.vector_load %arg10[%get3A_97, %get3A_98] {strides = array<i32>} : memref<80x128xi32, #tpu.memory_space<vmem>>, vector<16xi32>,
      tpu.vector_store_idx %arg12[%get3A_99], %broadcast_in_dim3A_11 {add = true} : memref<4224xf32, #tpu.memory_space<vmem>>[vector<16xi32>], vector<16xf32>,
      %get3A_100 = arith.index_cast %add3A_60 : i32 to index
      %get3A_101 = arith.constant 96 : index
      %get3A_102 = tpu.vector_load %arg10[%get3A_100, %get3A_101] {strides = array<i32>} : memref<80x128xi32, #tpu.memory_space<vmem>>, vector<16xi32>,
      tpu.vector_store_idx %arg12[%get3A_102], %broadcast_in_dim3A_11 {add = true} : memref<4224xf32, #tpu.memory_space<vmem>>[vector<16xi32>], vector<16xf32>,
      %get3A_103 = arith.index_cast %add3A_60 : i32 to index
      %get3A_104 = arith.constant 112 : index
      %get3A_105 = tpu.vector_load %arg10[%get3A_103, %get3A_104] {strides = array<i32>} : memref<80x128xi32, #tpu.memory_space<vmem>>, vector<16xi32>,
      tpu.vector_store_idx %arg12[%get3A_105], %broadcast_in_dim3A_11 {add = true} : memref<4224xf32, #tpu.memory_space<vmem>>[vector<16xi32>], vector<16xf32>,
      %add3A_106 = arith.constant 2 : i32
      %add3A_107 = arith.addi %add3A_60, %add3A_106 : i32
      %sub3A = arith.constant 1 : i32
      %sub3A_108 = arith.subi %add3A_107, %sub3A : i32
      %lt3A = arith.constant 80 : i32
      %lt3A_109 = arith.cmpi slt, %sub3A_108, %lt3A : i32
      %convert_element_type3A = arith.extui %lt3A_109 : i1 to i32
      %cond3A = arith.constant 0 : i32
      %cond3A_110 = arith.cmpi ne, %convert_element_type3A, %cond3A : i32
      scf.if %cond3A_110 {
        %gt3A = arith.constant 0 : i32
        %gt3A_170 = arith.cmpi sgt, %add3A_60, %gt3A : i32
        %convert_element_type3A_171 = arith.extui %gt3A_170 : i1 to i32
        %cond3A_172 = arith.constant 0 : i32
        %cond3A_173 = arith.cmpi ne, %convert_element_type3A_171, %cond3A_172 : i32
        scf.if %cond3A_173 {
          %dma_wait3A_189 = arith.constant 1 : i32
          %dma_wait3A_190 = arith.constant 0 : i32
          %dma_wait3A_191 = arith.constant 0 : i32
          %dma_wait3A_192 = tpu.memref_slice %arg11[%dma_wait3A_189, %dma_wait3A_190, %dma_wait3A_191] : memref<2x128x128xf32, #tpu.memory_space<vmem>> -> memref<1x128x128xf32, #tpu.memory_space<vmem>>
          %dma_wait3A_193 = tpu.memref_squeeze %dma_wait3A_192 : memref<1x128x128xf32, #tpu.memory_space<vmem>> -> memref<128x128xf32, #tpu.memory_space<vmem>>
          %dma_wait3A_194 = arith.constant 0 : i32
          %dma_wait3A_195 = tpu.memref_slice %arg10[%add3A_60, %dma_wait3A_194] : memref<80x128xi32, #tpu.memory_space<vmem>> -> memref<1x128xi32, #tpu.memory_space<vmem>>
          %dma_wait3A_196 = tpu.memref_squeeze %dma_wait3A_195 : memref<1x128xi32, #tpu.memory_space<vmem>> -> memref<128xi32, #tpu.memory_space<vmem>>
          %dma_wait3A_197 = arith.constant 0 : i32
          %dma_wait3A_198 = arith.constant 0 : i32
          %dma_wait3A_199 = tpu.memref_slice %arg14[%dma_wait3A_197, %dma_wait3A_198] : memref<4224x128xf32, #tpu.memory_space<vmem_shared>> -> memref<4224x128xf32, #tpu.memory_space<vmem_shared>>
          tpu.wait_indirect_dma semaphore(%arg20 : memref<!tpu.dma_semaphore, #tpu.memory_space<semaphore_mem>>) src(%dma_wait3A_193 : memref<128x128xf32, #tpu.memory_space<vmem>>) dst(%dma_wait3A_199 : memref<4224x128xf32, #tpu.memory_space<vmem_shared>>)
        } else {
        }
        %add3A_174 = arith.constant 2 : i32
        %add3A_175 = arith.addi %add3A_60, %add3A_174 : i32
        %sub3A_176 = arith.constant 1 : i32
        %sub3A_177 = arith.subi %add3A_175, %sub3A_176 : i32
        %dma_start3A_178 = arith.constant 1 : i32
        %dma_start3A_179 = arith.constant 0 : i32
        %dma_start3A_180 = arith.constant 0 : i32
        %dma_start3A_181 = tpu.memref_slice %arg11[%dma_start3A_178, %dma_start3A_179, %dma_start3A_180] : memref<2x128x128xf32, #tpu.memory_space<vmem>> -> memref<1x128x128xf32, #tpu.memory_space<vmem>>
        %dma_start3A_182 = tpu.memref_squeeze %dma_start3A_181 : memref<1x128x128xf32, #tpu.memory_space<vmem>> -> memref<128x128xf32, #tpu.memory_space<vmem>>
        %dma_start3A_183 = arith.constant 0 : i32
        %dma_start3A_184 = tpu.memref_slice %arg9[%sub3A_177, %dma_start3A_183] : memref<80x128xi32, #tpu.memory_space<vmem>> -> memref<1x128xi32, #tpu.memory_space<vmem>>
        %dma_start3A_185 = tpu.memref_squeeze %dma_start3A_184 : memref<1x128xi32, #tpu.memory_space<vmem>> -> memref<128xi32, #tpu.memory_space<vmem>>
        %dma_start3A_186 = arith.constant 0 : i32
        %dma_start3A_187 = arith.constant 0 : i32
        %dma_start3A_188 = tpu.memref_slice %arg13[%dma_start3A_186, %dma_start3A_187] : memref<4096x128xf32, #tpu.memory_space<vmem_shared>> -> memref<4096x128xf32, #tpu.memory_space<vmem_shared>>
        tpu.enqueue_indirect_dma source(%dma_start3A_188 : memref<4096x128xf32, #tpu.memory_space<vmem_shared>>) target(%dma_start3A_182 : memref<128x128xf32, #tpu.memory_space<vmem>>) offsets(%dma_start3A_185 : memref<128xi32, #tpu.memory_space<vmem>>) semaphore(%arg16 : memref<!tpu.dma_semaphore, #tpu.memory_space<semaphore_mem>>)
      } else {
      }
      %mul3A_111 = arith.constant 2 : i32
      %mul3A_112 = arith.muli %mul3A_111, %scan3A_56 : i32
      %add3A_113 = arith.constant 1 : i32
      %add3A_114 = arith.addi %mul3A_112, %add3A_113 : i32
      %dma_wait3A_115 = arith.constant 1 : i32
      %dma_wait3A_116 = arith.constant 0 : i32
      %dma_wait3A_117 = arith.constant 0 : i32
      %dma_wait3A_118 = tpu.memref_slice %arg11[%dma_wait3A_115, %dma_wait3A_116, %dma_wait3A_117] : memref<2x128x128xf32, #tpu.memory_space<vmem>> -> memref<1x128x128xf32, #tpu.memory_space<vmem>>
      %dma_wait3A_119 = tpu.memref_squeeze %dma_wait3A_118 : memref<1x128x128xf32, #tpu.memory_space<vmem>> -> memref<128x128xf32, #tpu.memory_space<vmem>>
      %dma_wait3A_120 = arith.constant 0 : i32
      %dma_wait3A_121 = tpu.memref_slice %arg9[%add3A_114, %dma_wait3A_120] : memref<80x128xi32, #tpu.memory_space<vmem>> -> memref<1x128xi32, #tpu.memory_space<vmem>>
      %dma_wait3A_122 = tpu.memref_squeeze %dma_wait3A_121 : memref<1x128xi32, #tpu.memory_space<vmem>> -> memref<128xi32, #tpu.memory_space<vmem>>
      %dma_wait3A_123 = arith.constant 0 : i32
      %dma_wait3A_124 = arith.constant 0 : i32
      %dma_wait3A_125 = tpu.memref_slice %arg13[%dma_wait3A_123, %dma_wait3A_124] : memref<4096x128xf32, #tpu.memory_space<vmem_shared>> -> memref<4096x128xf32, #tpu.memory_space<vmem_shared>>
      tpu.wait_indirect_dma semaphore(%arg16 : memref<!tpu.dma_semaphore, #tpu.memory_space<semaphore_mem>>) src(%dma_wait3A_125 : memref<4096x128xf32, #tpu.memory_space<vmem_shared>>) dst(%dma_wait3A_119 : memref<128x128xf32, #tpu.memory_space<vmem>>)
      %dma_start3A_126 = arith.constant 1 : i32
      %dma_start3A_127 = arith.constant 0 : i32
      %dma_start3A_128 = arith.constant 0 : i32
      %dma_start3A_129 = tpu.memref_slice %arg11[%dma_start3A_126, %dma_start3A_127, %dma_start3A_128] : memref<2x128x128xf32, #tpu.memory_space<vmem>> -> memref<1x128x128xf32, #tpu.memory_space<vmem>>
      %dma_start3A_130 = tpu.memref_squeeze %dma_start3A_129 : memref<1x128x128xf32, #tpu.memory_space<vmem>> -> memref<128x128xf32, #tpu.memory_space<vmem>>
      %dma_start3A_131 = arith.constant 0 : i32
      %dma_start3A_132 = tpu.memref_slice %arg10[%add3A_114, %dma_start3A_131] : memref<80x128xi32, #tpu.memory_space<vmem>> -> memref<1x128xi32, #tpu.memory_space<vmem>>
      %dma_start3A_133 = tpu.memref_squeeze %dma_start3A_132 : memref<1x128xi32, #tpu.memory_space<vmem>> -> memref<128xi32, #tpu.memory_space<vmem>>
      %dma_start3A_134 = arith.constant 0 : i32
      %dma_start3A_135 = arith.constant 0 : i32
      %dma_start3A_136 = tpu.memref_slice %arg14[%dma_start3A_134, %dma_start3A_135] : memref<4224x128xf32, #tpu.memory_space<vmem_shared>> -> memref<4224x128xf32, #tpu.memory_space<vmem_shared>>
      tpu.enqueue_indirect_dma source(%dma_start3A_130 : memref<128x128xf32, #tpu.memory_space<vmem>>) target(%dma_start3A_136 : memref<4224x128xf32, #tpu.memory_space<vmem_shared>>) offsets(%dma_start3A_133 : memref<128xi32, #tpu.memory_space<vmem>>) semaphore(%arg20 : memref<!tpu.dma_semaphore, #tpu.memory_space<semaphore_mem>>) {add = true}
      %get3A_137 = arith.index_cast %add3A_114 : i32 to index
      %get3A_138 = arith.constant 0 : index
      %get3A_139 = tpu.vector_load %arg10[%get3A_137, %get3A_138] {strides = array<i32>} : memref<80x128xi32, #tpu.memory_space<vmem>>, vector<16xi32>,
      tpu.vector_store_idx %arg12[%get3A_139], %broadcast_in_dim3A_11 {add = true} : memref<4224xf32, #tpu.memory_space<vmem>>[vector<16xi32>], vector<16xf32>,
      %get3A_140 = arith.index_cast %add3A_114 : i32 to index
      %get3A_141 = arith.constant 16 : index
      %get3A_142 = tpu.vector_load %arg10[%get3A_140, %get3A_141] {strides = array<i32>} : memref<80x128xi32, #tpu.memory_space<vmem>>, vector<16xi32>,
      tpu.vector_store_idx %arg12[%get3A_142], %broadcast_in_dim3A_11 {add = true} : memref<4224xf32, #tpu.memory_space<vmem>>[vector<16xi32>], vector<16xf32>,
      %get3A_143 = arith.index_cast %add3A_114 : i32 to index
      %get3A_144 = arith.constant 32 : index
      %get3A_145 = tpu.vector_load %arg10[%get3A_143, %get3A_144] {strides = array<i32>} : memref<80x128xi32, #tpu.memory_space<vmem>>, vector<16xi32>,
      tpu.vector_store_idx %arg12[%get3A_145], %broadcast_in_dim3A_11 {add = true} : memref<4224xf32, #tpu.memory_space<vmem>>[vector<16xi32>], vector<16xf32>,
      %get3A_146 = arith.index_cast %add3A_114 : i32 to index
      %get3A_147 = arith.constant 48 : index
      %get3A_148 = tpu.vector_load %arg10[%get3A_146, %get3A_147] {strides = array<i32>} : memref<80x128xi32, #tpu.memory_space<vmem>>, vector<16xi32>,
      tpu.vector_store_idx %arg12[%get3A_148], %broadcast_in_dim3A_11 {add = true} : memref<4224xf32, #tpu.memory_space<vmem>>[vector<16xi32>], vector<16xf32>,
      %get3A_149 = arith.index_cast %add3A_114 : i32 to index
      %get3A_150 = arith.constant 64 : index
      %get3A_151 = tpu.vector_load %arg10[%get3A_149, %get3A_150] {strides = array<i32>} : memref<80x128xi32, #tpu.memory_space<vmem>>, vector<16xi32>,
      tpu.vector_store_idx %arg12[%get3A_151], %broadcast_in_dim3A_11 {add = true} : memref<4224xf32, #tpu.memory_space<vmem>>[vector<16xi32>], vector<16xf32>,
      %get3A_152 = arith.index_cast %add3A_114 : i32 to index
      %get3A_153 = arith.constant 80 : index
      %get3A_154 = tpu.vector_load %arg10[%get3A_152, %get3A_153] {strides = array<i32>} : memref<80x128xi32, #tpu.memory_space<vmem>>, vector<16xi32>,
      tpu.vector_store_idx %arg12[%get3A_154], %broadcast_in_dim3A_11 {add = true} : memref<4224xf32, #tpu.memory_space<vmem>>[vector<16xi32>], vector<16xf32>,
      %get3A_155 = arith.index_cast %add3A_114 : i32 to index
      %get3A_156 = arith.constant 96 : index
      %get3A_157 = tpu.vector_load %arg10[%get3A_155, %get3A_156] {strides = array<i32>} : memref<80x128xi32, #tpu.memory_space<vmem>>, vector<16xi32>,
      tpu.vector_store_idx %arg12[%get3A_157], %broadcast_in_dim3A_11 {add = true} : memref<4224xf32, #tpu.memory_space<vmem>>[vector<16xi32>], vector<16xf32>,
      %get3A_158 = arith.index_cast %add3A_114 : i32 to index
      %get3A_159 = arith.constant 112 : index
      %get3A_160 = tpu.vector_load %arg10[%get3A_158, %get3A_159] {strides = array<i32>} : memref<80x128xi32, #tpu.memory_space<vmem>>, vector<16xi32>,
      tpu.vector_store_idx %arg12[%get3A_160], %broadcast_in_dim3A_11 {add = true} : memref<4224xf32, #tpu.memory_space<vmem>>[vector<16xi32>], vector<16xf32>,
      %add3A_161 = arith.constant 2 : i32
      %add3A_162 = arith.addi %add3A_114, %add3A_161 : i32
      %sub3A_163 = arith.constant 1 : i32
      %sub3A_164 = arith.subi %add3A_162, %sub3A_163 : i32
      %lt3A_165 = arith.constant 80 : i32
      %lt3A_166 = arith.cmpi slt, %sub3A_164, %lt3A_165 : i32
      %convert_element_type3A_167 = arith.extui %lt3A_166 : i1 to i32
      %cond3A_168 = arith.constant 0 : i32
      %cond3A_169 = arith.cmpi ne, %convert_element_type3A_167, %cond3A_168 : i32
      scf.if %cond3A_169 {
        %gt3A = arith.constant 0 : i32
        %gt3A_170 = arith.cmpi sgt, %add3A_114, %gt3A : i32
        %convert_element_type3A_171 = arith.extui %gt3A_170 : i1 to i32
        %cond3A_172 = arith.constant 0 : i32
        %cond3A_173 = arith.cmpi ne, %convert_element_type3A_171, %cond3A_172 : i32
        scf.if %cond3A_173 {
          %dma_wait3A_189 = arith.constant 0 : i32
          %dma_wait3A_190 = arith.constant 0 : i32
          %dma_wait3A_191 = arith.constant 0 : i32
          %dma_wait3A_192 = tpu.memref_slice %arg11[%dma_wait3A_189, %dma_wait3A_190, %dma_wait3A_191] : memref<2x128x128xf32, #tpu.memory_space<vmem>> -> memref<1x128x128xf32, #tpu.memory_space<vmem>>
          %dma_wait3A_193 = tpu.memref_squeeze %dma_wait3A_192 : memref<1x128x128xf32, #tpu.memory_space<vmem>> -> memref<128x128xf32, #tpu.memory_space<vmem>>
          %dma_wait3A_194 = arith.constant 0 : i32
          %dma_wait3A_195 = tpu.memref_slice %arg10[%add3A_114, %dma_wait3A_194] : memref<80x128xi32, #tpu.memory_space<vmem>> -> memref<1x128xi32, #tpu.memory_space<vmem>>
          %dma_wait3A_196 = tpu.memref_squeeze %dma_wait3A_195 : memref<1x128xi32, #tpu.memory_space<vmem>> -> memref<128xi32, #tpu.memory_space<vmem>>
          %dma_wait3A_197 = arith.constant 0 : i32
          %dma_wait3A_198 = arith.constant 0 : i32
          %dma_wait3A_199 = tpu.memref_slice %arg14[%dma_wait3A_197, %dma_wait3A_198] : memref<4224x128xf32, #tpu.memory_space<vmem_shared>> -> memref<4224x128xf32, #tpu.memory_space<vmem_shared>>
          tpu.wait_indirect_dma semaphore(%arg19 : memref<!tpu.dma_semaphore, #tpu.memory_space<semaphore_mem>>) src(%dma_wait3A_193 : memref<128x128xf32, #tpu.memory_space<vmem>>) dst(%dma_wait3A_199 : memref<4224x128xf32, #tpu.memory_space<vmem_shared>>)
        } else {
        }
        %add3A_174 = arith.constant 2 : i32
        %add3A_175 = arith.addi %add3A_114, %add3A_174 : i32
        %sub3A_176 = arith.constant 1 : i32
        %sub3A_177 = arith.subi %add3A_175, %sub3A_176 : i32
        %dma_start3A_178 = arith.constant 0 : i32
        %dma_start3A_179 = arith.constant 0 : i32
        %dma_start3A_180 = arith.constant 0 : i32
        %dma_start3A_181 = tpu.memref_slice %arg11[%dma_start3A_178, %dma_start3A_179, %dma_start3A_180] : memref<2x128x128xf32, #tpu.memory_space<vmem>> -> memref<1x128x128xf32, #tpu.memory_space<vmem>>
        %dma_start3A_182 = tpu.memref_squeeze %dma_start3A_181 : memref<1x128x128xf32, #tpu.memory_space<vmem>> -> memref<128x128xf32, #tpu.memory_space<vmem>>
        %dma_start3A_183 = arith.constant 0 : i32
        %dma_start3A_184 = tpu.memref_slice %arg9[%sub3A_177, %dma_start3A_183] : memref<80x128xi32, #tpu.memory_space<vmem>> -> memref<1x128xi32, #tpu.memory_space<vmem>>
        %dma_start3A_185 = tpu.memref_squeeze %dma_start3A_184 : memref<1x128xi32, #tpu.memory_space<vmem>> -> memref<128xi32, #tpu.memory_space<vmem>>
        %dma_start3A_186 = arith.constant 0 : i32
        %dma_start3A_187 = arith.constant 0 : i32
        %dma_start3A_188 = tpu.memref_slice %arg13[%dma_start3A_186, %dma_start3A_187] : memref<4096x128xf32, #tpu.memory_space<vmem_shared>> -> memref<4096x128xf32, #tpu.memory_space<vmem_shared>>
        tpu.enqueue_indirect_dma source(%dma_start3A_188 : memref<4096x128xf32, #tpu.memory_space<vmem_shared>>) target(%dma_start3A_182 : memref<128x128xf32, #tpu.memory_space<vmem>>) offsets(%dma_start3A_185 : memref<128xi32, #tpu.memory_space<vmem>>) semaphore(%arg15 : memref<!tpu.dma_semaphore, #tpu.memory_space<semaphore_mem>>)
      } else {
      }
    }
    %scan3A_27 = arith.constant 40 : i32
    %dma_wait3A = arith.constant 0 : i32
    %dma_wait3A_28 = arith.constant 78 : i32
    %dma_wait3A_29 = arith.constant 0 : i32
    %dma_wait3A_30 = arith.constant 0 : i32
    %dma_wait3A_31 = tpu.memref_slice %arg11[%dma_wait3A, %dma_wait3A_29, %dma_wait3A_30] : memref<2x128x128xf32, #tpu.memory_space<vmem>> -> memref<1x128x128xf32, #tpu.memory_space<vmem>>
    %dma_wait3A_32 = tpu.memref_squeeze %dma_wait3A_31 : memref<1x128x128xf32, #tpu.memory_space<vmem>> -> memref<128x128xf32, #tpu.memory_space<vmem>>
    %dma_wait3A_33 = arith.constant 0 : i32
    %dma_wait3A_34 = tpu.memref_slice %arg10[%dma_wait3A_28, %dma_wait3A_33] : memref<80x128xi32, #tpu.memory_space<vmem>> -> memref<1x128xi32, #tpu.memory_space<vmem>>
    %dma_wait3A_35 = tpu.memref_squeeze %dma_wait3A_34 : memref<1x128xi32, #tpu.memory_space<vmem>> -> memref<128xi32, #tpu.memory_space<vmem>>
    %dma_wait3A_36 = arith.constant 0 : i32
    %dma_wait3A_37 = arith.constant 0 : i32
    %dma_wait3A_38 = tpu.memref_slice %arg14[%dma_wait3A_36, %dma_wait3A_37] : memref<4224x128xf32, #tpu.memory_space<vmem_shared>> -> memref<4224x128xf32, #tpu.memory_space<vmem_shared>>
    tpu.wait_indirect_dma semaphore(%arg19 : memref<!tpu.dma_semaphore, #tpu.memory_space<semaphore_mem>>) src(%dma_wait3A_32 : memref<128x128xf32, #tpu.memory_space<vmem>>) dst(%dma_wait3A_38 : memref<4224x128xf32, #tpu.memory_space<vmem_shared>>)
    %dma_wait3A_39 = arith.constant 1 : i32
    %dma_wait3A_40 = arith.constant 79 : i32
    %dma_wait3A_41 = arith.constant 0 : i32
    %dma_wait3A_42 = arith.constant 0 : i32
    %dma_wait3A_43 = tpu.memref_slice %arg11[%dma_wait3A_39, %dma_wait3A_41, %dma_wait3A_42] : memref<2x128x128xf32, #tpu.memory_space<vmem>> -> memref<1x128x128xf32, #tpu.memory_space<vmem>>
    %dma_wait3A_44 = tpu.memref_squeeze %dma_wait3A_43 : memref<1x128x128xf32, #tpu.memory_space<vmem>> -> memref<128x128xf32, #tpu.memory_space<vmem>>
    %dma_wait3A_45 = arith.constant 0 : i32
    %dma_wait3A_46 = tpu.memref_slice %arg10[%dma_wait3A_40, %dma_wait3A_45] : memref<80x128xi32, #tpu.memory_space<vmem>> -> memref<1x128xi32, #tpu.memory_space<vmem>>
    %dma_wait3A_47 = tpu.memref_squeeze %dma_wait3A_46 : memref<1x128xi32, #tpu.memory_space<vmem>> -> memref<128xi32, #tpu.memory_space<vmem>>
    %dma_wait3A_48 = arith.constant 0 : i32
    %dma_wait3A_49 = arith.constant 0 : i32
    %dma_wait3A_50 = tpu.memref_slice %arg14[%dma_wait3A_48, %dma_wait3A_49] : memref<4224x128xf32, #tpu.memory_space<vmem_shared>> -> memref<4224x128xf32, #tpu.memory_space<vmem_shared>>
    tpu.wait_indirect_dma semaphore(%arg20 : memref<!tpu.dma_semaphore, #tpu.memory_space<semaphore_mem>>) src(%dma_wait3A_44 : memref<128x128xf32, #tpu.memory_space<vmem>>) dst(%dma_wait3A_50 : memref<4224x128xf32, #tpu.memory_space<vmem_shared>>)
    "tpu.region"() ({
      %run_scoped3A = tpu.sem_alloc : memref<!tpu.dma_semaphore, #tpu.memory_space<semaphore_mem>>
      %dma_start3A_56 = arith.constant 0 : i32
      %dma_start3A_57 = tpu.memref_slice %arg8[%add3A, %dma_start3A_56] : memref<32x4224xf32, #tpu.memory_space<hbm>> -> memref<1x4224xf32, #tpu.memory_space<hbm>>
      %dma_start3A_58 = tpu.memref_squeeze %dma_start3A_57 : memref<1x4224xf32, #tpu.memory_space<hbm>> -> memref<4224xf32, #tpu.memory_space<hbm>>
      %dma_start3A_59 = arith.constant 0 : i32
      %dma_start3A_60 = tpu.memref_slice %arg8[%add3A, %dma_start3A_59] : memref<32x4224xf32, #tpu.memory_space<hbm>> -> memref<1x4224xf32, #tpu.memory_space<hbm>>
      %dma_start3A_61 = tpu.memref_squeeze %dma_start3A_60 : memref<1x4224xf32, #tpu.memory_space<hbm>> -> memref<4224xf32, #tpu.memory_space<hbm>>
      tpu.enqueue_dma source(%arg12 : memref<4224xf32, #tpu.memory_space<vmem>>) target(%dma_start3A_61 : memref<4224xf32, #tpu.memory_space<hbm>>) target_semaphore(%run_scoped3A : memref<!tpu.dma_semaphore, #tpu.memory_space<semaphore_mem>>)
      %dma_wait3A_62 = arith.constant 0 : i32
      %dma_wait3A_63 = tpu.memref_slice %arg8[%add3A, %dma_wait3A_62] : memref<32x4224xf32, #tpu.memory_space<hbm>> -> memref<1x4224xf32, #tpu.memory_space<hbm>>
      %dma_wait3A_64 = tpu.memref_squeeze %dma_wait3A_63 : memref<1x4224xf32, #tpu.memory_space<hbm>> -> memref<4224xf32, #tpu.memory_space<hbm>>
      %dma_wait3A_65 = arith.constant 0 : i32
      %dma_wait3A_66 = tpu.memref_slice %arg8[%add3A, %dma_wait3A_65] : memref<32x4224xf32, #tpu.memory_space<hbm>> -> memref<1x4224xf32, #tpu.memory_space<hbm>>
      %dma_wait3A_67 = tpu.memref_squeeze %dma_wait3A_66 : memref<1x4224xf32, #tpu.memory_space<hbm>> -> memref<4224xf32, #tpu.memory_space<hbm>>
      tpu.wait_dma2 semaphore(%run_scoped3A : memref<!tpu.dma_semaphore, #tpu.memory_space<semaphore_mem>>) src(%arg12 : memref<4224xf32, #tpu.memory_space<vmem>>) dst(%dma_wait3A_67 : memref<4224xf32, #tpu.memory_space<hbm>>)
      tpu.yield
    }) : () -> ()
    %barrier3A_51 = arith.constant 0 : index
    tpu.barrier barrier_id(%barrier3A_51)
    %mul3A_52 = arith.constant 264 : i32
    %mul3A_53 = arith.muli %arg1, %mul3A_52 : i32
    %mul3A_54 = arith.constant 264 : i32
    %mul3A_55 = arith.muli %arg1, %mul3A_54 : i32
    "tpu.region"() ({
      %run_scoped3A = tpu.sem_alloc : memref<!tpu.dma_semaphore, #tpu.memory_space<semaphore_mem>>
      %dma_start3A_56 = arith.constant 0 : i32
      %dma_start3A_57 = tpu.memref_slice %arg7[%arg0, %mul3A_55, %dma_start3A_56] : memref<2x4224x128xf32, #tpu.memory_space<hbm>> -> memref<1x264x128xf32, #tpu.memory_space<hbm>>
      %dma_start3A_58 = tpu.memref_squeeze %dma_start3A_57 : memref<1x264x128xf32, #tpu.memory_space<hbm>> -> memref<264x128xf32, #tpu.memory_space<hbm>>
      %dma_start3A_59 = arith.constant 0 : i32
      %dma_start3A_60 = tpu.memref_slice %arg14[%mul3A_53, %dma_start3A_59] : memref<4224x128xf32, #tpu.memory_space<vmem_shared>> -> memref<264x128xf32, #tpu.memory_space<vmem_shared>>
      tpu.enqueue_dma source(%dma_start3A_60 : memref<264x128xf32, #tpu.memory_space<vmem_shared>>) target(%dma_start3A_58 : memref<264x128xf32, #tpu.memory_space<hbm>>) target_semaphore(%run_scoped3A : memref<!tpu.dma_semaphore, #tpu.memory_space<semaphore_mem>>)
      %dma_wait3A_61 = arith.constant 0 : i32
      %dma_wait3A_62 = tpu.memref_slice %arg7[%arg0, %mul3A_55, %dma_wait3A_61] : memref<2x4224x128xf32, #tpu.memory_space<hbm>> -> memref<1x264x128xf32, #tpu.memory_space<hbm>>
      %dma_wait3A_63 = tpu.memref_squeeze %dma_wait3A_62 : memref<1x264x128xf32, #tpu.memory_space<hbm>> -> memref<264x128xf32, #tpu.memory_space<hbm>>
      %dma_wait3A_64 = arith.constant 0 : i32
      %dma_wait3A_65 = tpu.memref_slice %arg14[%mul3A_53, %dma_wait3A_64] : memref<4224x128xf32, #tpu.memory_space<vmem_shared>> -> memref<264x128xf32, #tpu.memory_space<vmem_shared>>
      tpu.wait_dma2 semaphore(%run_scoped3A : memref<!tpu.dma_semaphore, #tpu.memory_space<semaphore_mem>>) src(%dma_wait3A_65 : memref<264x128xf32, #tpu.memory_space<vmem_shared>>) dst(%dma_wait3A_63 : memref<264x128xf32, #tpu.memory_space<hbm>>)
      tpu.yield
    }) : () -> ()
    return
  }
}

#map = affine_map<(d0, d1) -> (0, 0)>
#map1 = affine_map<(d0, d1) -> (0)>
#map2 = affine_map<(d0, d1) -> (0, 0, 0)>
module attributes {stable_mosaic.version = 14 : i64} {
  func.func @seg_kernel(%arg0: i32, %arg1: i32, %arg2: memref<4096x128xf32, #tpu.memory_space<hbm>>, %arg3: memref<512x128xi32, #tpu.memory_space<hbm>>, %arg4: memref<512x128xi32, #tpu.memory_space<hbm>>, %arg5: memref<1152x128xf32, #tpu.memory_space<hbm>>, %arg6: memref<1152xf32, #tpu.memory_space<hbm>>, %arg7: memref<2x1152x128xf32, #tpu.memory_space<hbm>>, %arg8: memref<32x1152xf32, #tpu.memory_space<hbm>>, %arg9: memref<16x128xi32, #tpu.memory_space<vmem>>, %arg10: memref<16x128xi32, #tpu.memory_space<vmem>>, %arg11: memref<4x128x128xf32, #tpu.memory_space<vmem>>, %arg12: memref<1152xf32, #tpu.memory_space<vmem>>, %arg13: memref<1024x128xf32, #tpu.memory_space<vmem_shared>>, %arg14: memref<1152x128xf32, #tpu.memory_space<vmem_shared>>, %arg15: memref<!tpu.dma_semaphore, #tpu.memory_space<semaphore_mem>>, %arg16: memref<!tpu.dma_semaphore, #tpu.memory_space<semaphore_mem>>, %arg17: memref<!tpu.dma_semaphore, #tpu.memory_space<semaphore_mem>>, %arg18: memref<!tpu.dma_semaphore, #tpu.memory_space<semaphore_mem>>, %arg19: memref<!tpu.dma_semaphore, #tpu.memory_space<semaphore_mem>>, %arg20: memref<!tpu.dma_semaphore, #tpu.memory_space<semaphore_mem>>, %arg21: memref<!tpu.dma_semaphore, #tpu.memory_space<semaphore_mem>>, %arg22: memref<!tpu.dma_semaphore, #tpu.memory_space<semaphore_mem>>) attributes {dimension_semantics = [#tpu.dimension_semantics<core_parallel>, #tpu.dimension_semantics<subcore_parallel>], iteration_bounds = array<i64: 2, 16>, scalar_prefetch = 0 : i64, scratch_operands = 14 : i64, tpu.core_type = #tpu.core_type<sc_vector_subcore>, window_params = [{transform_indices = #map}, {transform_indices = #map}, {transform_indices = #map}, {transform_indices = #map}, {transform_indices = #map1}, {transform_indices = #map2}, {transform_indices = #map}]} {
    %mul3A = arith.constant 2 : i32
    %mul3A_0 = arith.muli %arg1, %mul3A : i32
    %add3A = arith.addi %mul3A_0, %arg0 : i32
    %mul3A_1 = arith.constant 72 : i32
    %mul3A_2 = arith.muli %arg1, %mul3A_1 : i32
    %mul3A_3 = arith.constant 72 : i32
    %mul3A_4 = arith.muli %arg1, %mul3A_3 : i32
    "tpu.region"() ({
      %run_scoped3A = tpu.sem_alloc : memref<!tpu.dma_semaphore, #tpu.memory_space<semaphore_mem>>
      %dma_start3A_104 = arith.constant 0 : i32
      %dma_start3A_105 = tpu.memref_slice %arg14[%mul3A_4, %dma_start3A_104] : memref<1152x128xf32, #tpu.memory_space<vmem_shared>> -> memref<72x128xf32, #tpu.memory_space<vmem_shared>>
      %dma_start3A_106 = arith.constant 0 : i32
      %dma_start3A_107 = tpu.memref_slice %arg5[%mul3A_2, %dma_start3A_106] : memref<1152x128xf32, #tpu.memory_space<hbm>> -> memref<72x128xf32, #tpu.memory_space<hbm>>
      tpu.enqueue_dma source(%dma_start3A_107 : memref<72x128xf32, #tpu.memory_space<hbm>>) target(%dma_start3A_105 : memref<72x128xf32, #tpu.memory_space<vmem_shared>>) target_semaphore(%run_scoped3A : memref<!tpu.dma_semaphore, #tpu.memory_space<semaphore_mem>>)
      %dma_wait3A_108 = arith.constant 0 : i32
      %dma_wait3A_109 = tpu.memref_slice %arg14[%mul3A_4, %dma_wait3A_108] : memref<1152x128xf32, #tpu.memory_space<vmem_shared>> -> memref<72x128xf32, #tpu.memory_space<vmem_shared>>
      %dma_wait3A_110 = arith.constant 0 : i32
      %dma_wait3A_111 = tpu.memref_slice %arg5[%mul3A_2, %dma_wait3A_110] : memref<1152x128xf32, #tpu.memory_space<hbm>> -> memref<72x128xf32, #tpu.memory_space<hbm>>
      tpu.wait_dma2 semaphore(%run_scoped3A : memref<!tpu.dma_semaphore, #tpu.memory_space<semaphore_mem>>) src(%dma_wait3A_111 : memref<72x128xf32, #tpu.memory_space<hbm>>) dst(%dma_wait3A_109 : memref<72x128xf32, #tpu.memory_space<vmem_shared>>)
      tpu.yield
    }) : () -> ()
    %mul3A_5 = arith.constant 64 : i32
    %mul3A_6 = arith.muli %arg1, %mul3A_5 : i32
    %mul3A_7 = arith.constant 64 : i32
    %mul3A_8 = arith.muli %arg1, %mul3A_7 : i32
    "tpu.region"() ({
      %run_scoped3A = tpu.sem_alloc : memref<!tpu.dma_semaphore, #tpu.memory_space<semaphore_mem>>
      %dma_start3A_104 = arith.constant 0 : i32
      %dma_start3A_105 = tpu.memref_slice %arg13[%mul3A_8, %dma_start3A_104] : memref<1024x128xf32, #tpu.memory_space<vmem_shared>> -> memref<64x128xf32, #tpu.memory_space<vmem_shared>>
      %dma_start3A_106 = arith.constant 0 : i32
      %dma_start3A_107 = tpu.memref_slice %arg2[%mul3A_6, %dma_start3A_106] : memref<4096x128xf32, #tpu.memory_space<hbm>> -> memref<64x128xf32, #tpu.memory_space<hbm>>
      tpu.enqueue_dma source(%dma_start3A_107 : memref<64x128xf32, #tpu.memory_space<hbm>>) target(%dma_start3A_105 : memref<64x128xf32, #tpu.memory_space<vmem_shared>>) target_semaphore(%run_scoped3A : memref<!tpu.dma_semaphore, #tpu.memory_space<semaphore_mem>>)
      %dma_wait3A_108 = arith.constant 0 : i32
      %dma_wait3A_109 = tpu.memref_slice %arg13[%mul3A_8, %dma_wait3A_108] : memref<1024x128xf32, #tpu.memory_space<vmem_shared>> -> memref<64x128xf32, #tpu.memory_space<vmem_shared>>
      %dma_wait3A_110 = arith.constant 0 : i32
      %dma_wait3A_111 = tpu.memref_slice %arg2[%mul3A_6, %dma_wait3A_110] : memref<4096x128xf32, #tpu.memory_space<hbm>> -> memref<64x128xf32, #tpu.memory_space<hbm>>
      tpu.wait_dma2 semaphore(%run_scoped3A : memref<!tpu.dma_semaphore, #tpu.memory_space<semaphore_mem>>) src(%dma_wait3A_111 : memref<64x128xf32, #tpu.memory_space<hbm>>) dst(%dma_wait3A_109 : memref<64x128xf32, #tpu.memory_space<vmem_shared>>)
      tpu.yield
    }) : () -> ()
    "tpu.region"() ({
      %run_scoped3A = tpu.sem_alloc : memref<!tpu.dma_semaphore, #tpu.memory_space<semaphore_mem>>
      tpu.enqueue_dma source(%arg6 : memref<1152xf32, #tpu.memory_space<hbm>>) target(%arg12 : memref<1152xf32, #tpu.memory_space<vmem>>) target_semaphore(%run_scoped3A : memref<!tpu.dma_semaphore, #tpu.memory_space<semaphore_mem>>)
      tpu.wait_dma2 semaphore(%run_scoped3A : memref<!tpu.dma_semaphore, #tpu.memory_space<semaphore_mem>>) src(%arg6 : memref<1152xf32, #tpu.memory_space<hbm>>) dst(%arg12 : memref<1152xf32, #tpu.memory_space<vmem>>)
      tpu.yield
    }) : () -> ()
    %mul3A_9 = arith.constant 16 : i32
    %mul3A_10 = arith.muli %add3A, %mul3A_9 : i32
    "tpu.region"() ({
      %run_scoped3A = tpu.sem_alloc : memref<!tpu.dma_semaphore, #tpu.memory_space<semaphore_mem>>
      %dma_start3A_104 = arith.constant 0 : i32
      %dma_start3A_105 = tpu.memref_slice %arg3[%mul3A_10, %dma_start3A_104] : memref<512x128xi32, #tpu.memory_space<hbm>> -> memref<16x128xi32, #tpu.memory_space<hbm>>
      %dma_start3A_106 = arith.constant 0 : i32
      %dma_start3A_107 = tpu.memref_slice %arg3[%mul3A_10, %dma_start3A_106] : memref<512x128xi32, #tpu.memory_space<hbm>> -> memref<16x128xi32, #tpu.memory_space<hbm>>
      tpu.enqueue_dma source(%dma_start3A_107 : memref<16x128xi32, #tpu.memory_space<hbm>>) target(%arg9 : memref<16x128xi32, #tpu.memory_space<vmem>>) target_semaphore(%run_scoped3A : memref<!tpu.dma_semaphore, #tpu.memory_space<semaphore_mem>>)
      %dma_wait3A_108 = arith.constant 0 : i32
      %dma_wait3A_109 = tpu.memref_slice %arg3[%mul3A_10, %dma_wait3A_108] : memref<512x128xi32, #tpu.memory_space<hbm>> -> memref<16x128xi32, #tpu.memory_space<hbm>>
      %dma_wait3A_110 = arith.constant 0 : i32
      %dma_wait3A_111 = tpu.memref_slice %arg3[%mul3A_10, %dma_wait3A_110] : memref<512x128xi32, #tpu.memory_space<hbm>> -> memref<16x128xi32, #tpu.memory_space<hbm>>
      tpu.wait_dma2 semaphore(%run_scoped3A : memref<!tpu.dma_semaphore, #tpu.memory_space<semaphore_mem>>) src(%dma_wait3A_111 : memref<16x128xi32, #tpu.memory_space<hbm>>) dst(%arg9 : memref<16x128xi32, #tpu.memory_space<vmem>>)
      tpu.yield
    }) : () -> ()
    "tpu.region"() ({
      %run_scoped3A = tpu.sem_alloc : memref<!tpu.dma_semaphore, #tpu.memory_space<semaphore_mem>>
      %dma_start3A_104 = arith.constant 0 : i32
      %dma_start3A_105 = tpu.memref_slice %arg4[%mul3A_10, %dma_start3A_104] : memref<512x128xi32, #tpu.memory_space<hbm>> -> memref<16x128xi32, #tpu.memory_space<hbm>>
      %dma_start3A_106 = arith.constant 0 : i32
      %dma_start3A_107 = tpu.memref_slice %arg4[%mul3A_10, %dma_start3A_106] : memref<512x128xi32, #tpu.memory_space<hbm>> -> memref<16x128xi32, #tpu.memory_space<hbm>>
      tpu.enqueue_dma source(%dma_start3A_107 : memref<16x128xi32, #tpu.memory_space<hbm>>) target(%arg10 : memref<16x128xi32, #tpu.memory_space<vmem>>) target_semaphore(%run_scoped3A : memref<!tpu.dma_semaphore, #tpu.memory_space<semaphore_mem>>)
      %dma_wait3A_108 = arith.constant 0 : i32
      %dma_wait3A_109 = tpu.memref_slice %arg4[%mul3A_10, %dma_wait3A_108] : memref<512x128xi32, #tpu.memory_space<hbm>> -> memref<16x128xi32, #tpu.memory_space<hbm>>
      %dma_wait3A_110 = arith.constant 0 : i32
      %dma_wait3A_111 = tpu.memref_slice %arg4[%mul3A_10, %dma_wait3A_110] : memref<512x128xi32, #tpu.memory_space<hbm>> -> memref<16x128xi32, #tpu.memory_space<hbm>>
      tpu.wait_dma2 semaphore(%run_scoped3A : memref<!tpu.dma_semaphore, #tpu.memory_space<semaphore_mem>>) src(%dma_wait3A_111 : memref<16x128xi32, #tpu.memory_space<hbm>>) dst(%arg10 : memref<16x128xi32, #tpu.memory_space<vmem>>)
      tpu.yield
    }) : () -> ()
    %barrier3A = arith.constant 0 : index
    tpu.barrier barrier_id(%barrier3A)
    %broadcast_in_dim3A = arith.constant 1.000000e+00 : f32
    %broadcast_in_dim3A_11 = vector.broadcast %broadcast_in_dim3A : f32 to vector<16xf32>
    %dma_start3A = arith.constant 0 : i32
    %dma_start3A_12 = arith.constant 0 : i32
    %dma_start3A_13 = arith.constant 0 : i32
    %dma_start3A_14 = arith.constant 0 : i32
    %dma_start3A_15 = tpu.memref_slice %arg11[%dma_start3A_12, %dma_start3A_13, %dma_start3A_14] : memref<4x128x128xf32, #tpu.memory_space<vmem>> -> memref<1x128x128xf32, #tpu.memory_space<vmem>>
    %dma_start3A_16 = tpu.memref_squeeze %dma_start3A_15 : memref<1x128x128xf32, #tpu.memory_space<vmem>> -> memref<128x128xf32, #tpu.memory_space<vmem>>
    %dma_start3A_17 = arith.constant 0 : i32
    %dma_start3A_18 = tpu.memref_slice %arg9[%dma_start3A, %dma_start3A_17] : memref<16x128xi32, #tpu.memory_space<vmem>> -> memref<1x128xi32, #tpu.memory_space<vmem>>
    %dma_start3A_19 = tpu.memref_squeeze %dma_start3A_18 : memref<1x128xi32, #tpu.memory_space<vmem>> -> memref<128xi32, #tpu.memory_space<vmem>>
    %dma_start3A_20 = arith.constant 0 : i32
    %dma_start3A_21 = arith.constant 0 : i32
    %dma_start3A_22 = tpu.memref_slice %arg13[%dma_start3A_20, %dma_start3A_21] : memref<1024x128xf32, #tpu.memory_space<vmem_shared>> -> memref<1024x128xf32, #tpu.memory_space<vmem_shared>>
    tpu.enqueue_indirect_dma source(%dma_start3A_22 : memref<1024x128xf32, #tpu.memory_space<vmem_shared>>) target(%dma_start3A_16 : memref<128x128xf32, #tpu.memory_space<vmem>>) offsets(%dma_start3A_19 : memref<128xi32, #tpu.memory_space<vmem>>) semaphore(%arg15 : memref<!tpu.dma_semaphore, #tpu.memory_space<semaphore_mem>>)
    %dma_start3A_23 = arith.constant 1 : i32
    %dma_start3A_24 = arith.constant 1 : i32
    %dma_start3A_25 = arith.constant 0 : i32
    %dma_start3A_26 = arith.constant 0 : i32
    %dma_start3A_27 = tpu.memref_slice %arg11[%dma_start3A_24, %dma_start3A_25, %dma_start3A_26] : memref<4x128x128xf32, #tpu.memory_space<vmem>> -> memref<1x128x128xf32, #tpu.memory_space<vmem>>
    %dma_start3A_28 = tpu.memref_squeeze %dma_start3A_27 : memref<1x128x128xf32, #tpu.memory_space<vmem>> -> memref<128x128xf32, #tpu.memory_space<vmem>>
    %dma_start3A_29 = arith.constant 0 : i32
    %dma_start3A_30 = tpu.memref_slice %arg9[%dma_start3A_23, %dma_start3A_29] : memref<16x128xi32, #tpu.memory_space<vmem>> -> memref<1x128xi32, #tpu.memory_space<vmem>>
    %dma_start3A_31 = tpu.memref_squeeze %dma_start3A_30 : memref<1x128xi32, #tpu.memory_space<vmem>> -> memref<128xi32, #tpu.memory_space<vmem>>
    %dma_start3A_32 = arith.constant 0 : i32
    %dma_start3A_33 = arith.constant 0 : i32
    %dma_start3A_34 = tpu.memref_slice %arg13[%dma_start3A_32, %dma_start3A_33] : memref<1024x128xf32, #tpu.memory_space<vmem_shared>> -> memref<1024x128xf32, #tpu.memory_space<vmem_shared>>
    tpu.enqueue_indirect_dma source(%dma_start3A_34 : memref<1024x128xf32, #tpu.memory_space<vmem_shared>>) target(%dma_start3A_28 : memref<128x128xf32, #tpu.memory_space<vmem>>) offsets(%dma_start3A_31 : memref<128xi32, #tpu.memory_space<vmem>>) semaphore(%arg16 : memref<!tpu.dma_semaphore, #tpu.memory_space<semaphore_mem>>)
    %dma_start3A_35 = arith.constant 2 : i32
    %dma_start3A_36 = arith.constant 2 : i32
    %dma_start3A_37 = arith.constant 0 : i32
    %dma_start3A_38 = arith.constant 0 : i32
    %dma_start3A_39 = tpu.memref_slice %arg11[%dma_start3A_36, %dma_start3A_37, %dma_start3A_38] : memref<4x128x128xf32, #tpu.memory_space<vmem>> -> memref<1x128x128xf32, #tpu.memory_space<vmem>>
    %dma_start3A_40 = tpu.memref_squeeze %dma_start3A_39 : memref<1x128x128xf32, #tpu.memory_space<vmem>> -> memref<128x128xf32, #tpu.memory_space<vmem>>
    %dma_start3A_41 = arith.constant 0 : i32
    %dma_start3A_42 = tpu.memref_slice %arg9[%dma_start3A_35, %dma_start3A_41] : memref<16x128xi32, #tpu.memory_space<vmem>> -> memref<1x128xi32, #tpu.memory_space<vmem>>
    %dma_start3A_43 = tpu.memref_squeeze %dma_start3A_42 : memref<1x128xi32, #tpu.memory_space<vmem>> -> memref<128xi32, #tpu.memory_space<vmem>>
    %dma_start3A_44 = arith.constant 0 : i32
    %dma_start3A_45 = arith.constant 0 : i32
    %dma_start3A_46 = tpu.memref_slice %arg13[%dma_start3A_44, %dma_start3A_45] : memref<1024x128xf32, #tpu.memory_space<vmem_shared>> -> memref<1024x128xf32, #tpu.memory_space<vmem_shared>>
    tpu.enqueue_indirect_dma source(%dma_start3A_46 : memref<1024x128xf32, #tpu.memory_space<vmem_shared>>) target(%dma_start3A_40 : memref<128x128xf32, #tpu.memory_space<vmem>>) offsets(%dma_start3A_43 : memref<128xi32, #tpu.memory_space<vmem>>) semaphore(%arg17 : memref<!tpu.dma_semaphore, #tpu.memory_space<semaphore_mem>>)
    %scan3A = arith.constant 0 : i32
    %scan3A_47 = arith.constant 0 : i32
    %scan3A_48 = arith.constant 4 : i32
    %scan3A_49 = arith.addi %scan3A_47, %scan3A_48 : i32
    %scan3A_50 = arith.constant 1 : i32
    scf.for %scan3A_104 = %scan3A_47 to %scan3A_49 step %scan3A_50  : i32 {
      %mul3A_105 = arith.constant 4 : i32
      %mul3A_106 = arith.muli %mul3A_105, %scan3A_104 : i32
      %add3A_107 = arith.constant 0 : i32
      %add3A_108 = arith.addi %mul3A_106, %add3A_107 : i32
      %dma_wait3A_109 = arith.constant 0 : i32
      %dma_wait3A_110 = arith.constant 0 : i32
      %dma_wait3A_111 = arith.constant 0 : i32
      %dma_wait3A_112 = tpu.memref_slice %arg11[%dma_wait3A_109, %dma_wait3A_110, %dma_wait3A_111] : memref<4x128x128xf32, #tpu.memory_space<vmem>> -> memref<1x128x128xf32, #tpu.memory_space<vmem>>
      %dma_wait3A_113 = tpu.memref_squeeze %dma_wait3A_112 : memref<1x128x128xf32, #tpu.memory_space<vmem>> -> memref<128x128xf32, #tpu.memory_space<vmem>>
      %dma_wait3A_114 = arith.constant 0 : i32
      %dma_wait3A_115 = tpu.memref_slice %arg9[%add3A_108, %dma_wait3A_114] : memref<16x128xi32, #tpu.memory_space<vmem>> -> memref<1x128xi32, #tpu.memory_space<vmem>>
      %dma_wait3A_116 = tpu.memref_squeeze %dma_wait3A_115 : memref<1x128xi32, #tpu.memory_space<vmem>> -> memref<128xi32, #tpu.memory_space<vmem>>
      %dma_wait3A_117 = arith.constant 0 : i32
      %dma_wait3A_118 = arith.constant 0 : i32
      %dma_wait3A_119 = tpu.memref_slice %arg13[%dma_wait3A_117, %dma_wait3A_118] : memref<1024x128xf32, #tpu.memory_space<vmem_shared>> -> memref<1024x128xf32, #tpu.memory_space<vmem_shared>>
      tpu.wait_indirect_dma semaphore(%arg15 : memref<!tpu.dma_semaphore, #tpu.memory_space<semaphore_mem>>) src(%dma_wait3A_119 : memref<1024x128xf32, #tpu.memory_space<vmem_shared>>) dst(%dma_wait3A_113 : memref<128x128xf32, #tpu.memory_space<vmem>>)
      %dma_start3A_120 = arith.constant 0 : i32
      %dma_start3A_121 = arith.constant 0 : i32
      %dma_start3A_122 = arith.constant 0 : i32
      %dma_start3A_123 = tpu.memref_slice %arg11[%dma_start3A_120, %dma_start3A_121, %dma_start3A_122] : memref<4x128x128xf32, #tpu.memory_space<vmem>> -> memref<1x128x128xf32, #tpu.memory_space<vmem>>
      %dma_start3A_124 = tpu.memref_squeeze %dma_start3A_123 : memref<1x128x128xf32, #tpu.memory_space<vmem>> -> memref<128x128xf32, #tpu.memory_space<vmem>>
      %dma_start3A_125 = arith.constant 0 : i32
      %dma_start3A_126 = tpu.memref_slice %arg10[%add3A_108, %dma_start3A_125] : memref<16x128xi32, #tpu.memory_space<vmem>> -> memref<1x128xi32, #tpu.memory_space<vmem>>
      %dma_start3A_127 = tpu.memref_squeeze %dma_start3A_126 : memref<1x128xi32, #tpu.memory_space<vmem>> -> memref<128xi32, #tpu.memory_space<vmem>>
      %dma_start3A_128 = arith.constant 0 : i32
      %dma_start3A_129 = arith.constant 0 : i32
      %dma_start3A_130 = tpu.memref_slice %arg14[%dma_start3A_128, %dma_start3A_129] : memref<1152x128xf32, #tpu.memory_space<vmem_shared>> -> memref<1152x128xf32, #tpu.memory_space<vmem_shared>>
      tpu.enqueue_indirect_dma source(%dma_start3A_124 : memref<128x128xf32, #tpu.memory_space<vmem>>) target(%dma_start3A_130 : memref<1152x128xf32, #tpu.memory_space<vmem_shared>>) offsets(%dma_start3A_127 : memref<128xi32, #tpu.memory_space<vmem>>) semaphore(%arg19 : memref<!tpu.dma_semaphore, #tpu.memory_space<semaphore_mem>>) {add = true}
      %get3A = arith.index_cast %add3A_108 : i32 to index
      %get3A_131 = arith.constant 0 : index
      %get3A_132 = tpu.vector_load %arg10[%get3A, %get3A_131] {strides = array<i32>} : memref<16x128xi32, #tpu.memory_space<vmem>>, vector<16xi32>,
      tpu.vector_store_idx %arg12[%get3A_132], %broadcast_in_dim3A_11 {add = true} : memref<1152xf32, #tpu.memory_space<vmem>>[vector<16xi32>], vector<16xf32>,
      %get3A_133 = arith.index_cast %add3A_108 : i32 to index
      %get3A_134 = arith.constant 16 : index
      %get3A_135 = tpu.vector_load %arg10[%get3A_133, %get3A_134] {strides = array<i32>} : memref<16x128xi32, #tpu.memory_space<vmem>>, vector<16xi32>,
      tpu.vector_store_idx %arg12[%get3A_135], %broadcast_in_dim3A_11 {add = true} : memref<1152xf32, #tpu.memory_space<vmem>>[vector<16xi32>], vector<16xf32>,
      %get3A_136 = arith.index_cast %add3A_108 : i32 to index
      %get3A_137 = arith.constant 32 : index
      %get3A_138 = tpu.vector_load %arg10[%get3A_136, %get3A_137] {strides = array<i32>} : memref<16x128xi32, #tpu.memory_space<vmem>>, vector<16xi32>,
      tpu.vector_store_idx %arg12[%get3A_138], %broadcast_in_dim3A_11 {add = true} : memref<1152xf32, #tpu.memory_space<vmem>>[vector<16xi32>], vector<16xf32>,
      %get3A_139 = arith.index_cast %add3A_108 : i32 to index
      %get3A_140 = arith.constant 48 : index
      %get3A_141 = tpu.vector_load %arg10[%get3A_139, %get3A_140] {strides = array<i32>} : memref<16x128xi32, #tpu.memory_space<vmem>>, vector<16xi32>,
      tpu.vector_store_idx %arg12[%get3A_141], %broadcast_in_dim3A_11 {add = true} : memref<1152xf32, #tpu.memory_space<vmem>>[vector<16xi32>], vector<16xf32>,
      %get3A_142 = arith.index_cast %add3A_108 : i32 to index
      %get3A_143 = arith.constant 64 : index
      %get3A_144 = tpu.vector_load %arg10[%get3A_142, %get3A_143] {strides = array<i32>} : memref<16x128xi32, #tpu.memory_space<vmem>>, vector<16xi32>,
      tpu.vector_store_idx %arg12[%get3A_144], %broadcast_in_dim3A_11 {add = true} : memref<1152xf32, #tpu.memory_space<vmem>>[vector<16xi32>], vector<16xf32>,
      %get3A_145 = arith.index_cast %add3A_108 : i32 to index
      %get3A_146 = arith.constant 80 : index
      %get3A_147 = tpu.vector_load %arg10[%get3A_145, %get3A_146] {strides = array<i32>} : memref<16x128xi32, #tpu.memory_space<vmem>>, vector<16xi32>,
      tpu.vector_store_idx %arg12[%get3A_147], %broadcast_in_dim3A_11 {add = true} : memref<1152xf32, #tpu.memory_space<vmem>>[vector<16xi32>], vector<16xf32>,
      %get3A_148 = arith.index_cast %add3A_108 : i32 to index
      %get3A_149 = arith.constant 96 : index
      %get3A_150 = tpu.vector_load %arg10[%get3A_148, %get3A_149] {strides = array<i32>} : memref<16x128xi32, #tpu.memory_space<vmem>>, vector<16xi32>,
      tpu.vector_store_idx %arg12[%get3A_150], %broadcast_in_dim3A_11 {add = true} : memref<1152xf32, #tpu.memory_space<vmem>>[vector<16xi32>], vector<16xf32>,
      %get3A_151 = arith.index_cast %add3A_108 : i32 to index
      %get3A_152 = arith.constant 112 : index
      %get3A_153 = tpu.vector_load %arg10[%get3A_151, %get3A_152] {strides = array<i32>} : memref<16x128xi32, #tpu.memory_space<vmem>>, vector<16xi32>,
      tpu.vector_store_idx %arg12[%get3A_153], %broadcast_in_dim3A_11 {add = true} : memref<1152xf32, #tpu.memory_space<vmem>>[vector<16xi32>], vector<16xf32>,
      %add3A_154 = arith.constant 4 : i32
      %add3A_155 = arith.addi %add3A_108, %add3A_154 : i32
      %sub3A = arith.constant 1 : i32
      %sub3A_156 = arith.subi %add3A_155, %sub3A : i32
      %lt3A = arith.constant 16 : i32
      %lt3A_157 = arith.cmpi slt, %sub3A_156, %lt3A : i32
      %convert_element_type3A = arith.extui %lt3A_157 : i1 to i32
      %cond3A = arith.constant 0 : i32
      %cond3A_158 = arith.cmpi ne, %convert_element_type3A, %cond3A : i32
      scf.if %cond3A_158 {
        %gt3A = arith.constant 0 : i32
        %gt3A_336 = arith.cmpi sgt, %add3A_108, %gt3A : i32
        %convert_element_type3A_337 = arith.extui %gt3A_336 : i1 to i32
        %cond3A_338 = arith.constant 0 : i32
        %cond3A_339 = arith.cmpi ne, %convert_element_type3A_337, %cond3A_338 : i32
        scf.if %cond3A_339 {
          %dma_wait3A_355 = arith.constant 3 : i32
          %dma_wait3A_356 = arith.constant 0 : i32
          %dma_wait3A_357 = arith.constant 0 : i32
          %dma_wait3A_358 = tpu.memref_slice %arg11[%dma_wait3A_355, %dma_wait3A_356, %dma_wait3A_357] : memref<4x128x128xf32, #tpu.memory_space<vmem>> -> memref<1x128x128xf32, #tpu.memory_space<vmem>>
          %dma_wait3A_359 = tpu.memref_squeeze %dma_wait3A_358 : memref<1x128x128xf32, #tpu.memory_space<vmem>> -> memref<128x128xf32, #tpu.memory_space<vmem>>
          %dma_wait3A_360 = arith.constant 0 : i32
          %dma_wait3A_361 = tpu.memref_slice %arg10[%add3A_108, %dma_wait3A_360] : memref<16x128xi32, #tpu.memory_space<vmem>> -> memref<1x128xi32, #tpu.memory_space<vmem>>
          %dma_wait3A_362 = tpu.memref_squeeze %dma_wait3A_361 : memref<1x128xi32, #tpu.memory_space<vmem>> -> memref<128xi32, #tpu.memory_space<vmem>>
          %dma_wait3A_363 = arith.constant 0 : i32
          %dma_wait3A_364 = arith.constant 0 : i32
          %dma_wait3A_365 = tpu.memref_slice %arg14[%dma_wait3A_363, %dma_wait3A_364] : memref<1152x128xf32, #tpu.memory_space<vmem_shared>> -> memref<1152x128xf32, #tpu.memory_space<vmem_shared>>
          tpu.wait_indirect_dma semaphore(%arg22 : memref<!tpu.dma_semaphore, #tpu.memory_space<semaphore_mem>>) src(%dma_wait3A_359 : memref<128x128xf32, #tpu.memory_space<vmem>>) dst(%dma_wait3A_365 : memref<1152x128xf32, #tpu.memory_space<vmem_shared>>)
        } else {
        }
        %add3A_340 = arith.constant 4 : i32
        %add3A_341 = arith.addi %add3A_108, %add3A_340 : i32
        %sub3A_342 = arith.constant 1 : i32
        %sub3A_343 = arith.subi %add3A_341, %sub3A_342 : i32
        %dma_start3A_344 = arith.constant 3 : i32
        %dma_start3A_345 = arith.constant 0 : i32
        %dma_start3A_346 = arith.constant 0 : i32
        %dma_start3A_347 = tpu.memref_slice %arg11[%dma_start3A_344, %dma_start3A_345, %dma_start3A_346] : memref<4x128x128xf32, #tpu.memory_space<vmem>> -> memref<1x128x128xf32, #tpu.memory_space<vmem>>
        %dma_start3A_348 = tpu.memref_squeeze %dma_start3A_347 : memref<1x128x128xf32, #tpu.memory_space<vmem>> -> memref<128x128xf32, #tpu.memory_space<vmem>>
        %dma_start3A_349 = arith.constant 0 : i32
        %dma_start3A_350 = tpu.memref_slice %arg9[%sub3A_343, %dma_start3A_349] : memref<16x128xi32, #tpu.memory_space<vmem>> -> memref<1x128xi32, #tpu.memory_space<vmem>>
        %dma_start3A_351 = tpu.memref_squeeze %dma_start3A_350 : memref<1x128xi32, #tpu.memory_space<vmem>> -> memref<128xi32, #tpu.memory_space<vmem>>
        %dma_start3A_352 = arith.constant 0 : i32
        %dma_start3A_353 = arith.constant 0 : i32
        %dma_start3A_354 = tpu.memref_slice %arg13[%dma_start3A_352, %dma_start3A_353] : memref<1024x128xf32, #tpu.memory_space<vmem_shared>> -> memref<1024x128xf32, #tpu.memory_space<vmem_shared>>
        tpu.enqueue_indirect_dma source(%dma_start3A_354 : memref<1024x128xf32, #tpu.memory_space<vmem_shared>>) target(%dma_start3A_348 : memref<128x128xf32, #tpu.memory_space<vmem>>) offsets(%dma_start3A_351 : memref<128xi32, #tpu.memory_space<vmem>>) semaphore(%arg18 : memref<!tpu.dma_semaphore, #tpu.memory_space<semaphore_mem>>)
      } else {
      }
      %mul3A_159 = arith.constant 4 : i32
      %mul3A_160 = arith.muli %mul3A_159, %scan3A_104 : i32
      %add3A_161 = arith.constant 1 : i32
      %add3A_162 = arith.addi %mul3A_160, %add3A_161 : i32
      %dma_wait3A_163 = arith.constant 1 : i32
      %dma_wait3A_164 = arith.constant 0 : i32
      %dma_wait3A_165 = arith.constant 0 : i32
      %dma_wait3A_166 = tpu.memref_slice %arg11[%dma_wait3A_163, %dma_wait3A_164, %dma_wait3A_165] : memref<4x128x128xf32, #tpu.memory_space<vmem>> -> memref<1x128x128xf32, #tpu.memory_space<vmem>>
      %dma_wait3A_167 = tpu.memref_squeeze %dma_wait3A_166 : memref<1x128x128xf32, #tpu.memory_space<vmem>> -> memref<128x128xf32, #tpu.memory_space<vmem>>
      %dma_wait3A_168 = arith.constant 0 : i32
      %dma_wait3A_169 = tpu.memref_slice %arg9[%add3A_162, %dma_wait3A_168] : memref<16x128xi32, #tpu.memory_space<vmem>> -> memref<1x128xi32, #tpu.memory_space<vmem>>
      %dma_wait3A_170 = tpu.memref_squeeze %dma_wait3A_169 : memref<1x128xi32, #tpu.memory_space<vmem>> -> memref<128xi32, #tpu.memory_space<vmem>>
      %dma_wait3A_171 = arith.constant 0 : i32
      %dma_wait3A_172 = arith.constant 0 : i32
      %dma_wait3A_173 = tpu.memref_slice %arg13[%dma_wait3A_171, %dma_wait3A_172] : memref<1024x128xf32, #tpu.memory_space<vmem_shared>> -> memref<1024x128xf32, #tpu.memory_space<vmem_shared>>
      tpu.wait_indirect_dma semaphore(%arg16 : memref<!tpu.dma_semaphore, #tpu.memory_space<semaphore_mem>>) src(%dma_wait3A_173 : memref<1024x128xf32, #tpu.memory_space<vmem_shared>>) dst(%dma_wait3A_167 : memref<128x128xf32, #tpu.memory_space<vmem>>)
      %dma_start3A_174 = arith.constant 1 : i32
      %dma_start3A_175 = arith.constant 0 : i32
      %dma_start3A_176 = arith.constant 0 : i32
      %dma_start3A_177 = tpu.memref_slice %arg11[%dma_start3A_174, %dma_start3A_175, %dma_start3A_176] : memref<4x128x128xf32, #tpu.memory_space<vmem>> -> memref<1x128x128xf32, #tpu.memory_space<vmem>>
      %dma_start3A_178 = tpu.memref_squeeze %dma_start3A_177 : memref<1x128x128xf32, #tpu.memory_space<vmem>> -> memref<128x128xf32, #tpu.memory_space<vmem>>
      %dma_start3A_179 = arith.constant 0 : i32
      %dma_start3A_180 = tpu.memref_slice %arg10[%add3A_162, %dma_start3A_179] : memref<16x128xi32, #tpu.memory_space<vmem>> -> memref<1x128xi32, #tpu.memory_space<vmem>>
      %dma_start3A_181 = tpu.memref_squeeze %dma_start3A_180 : memref<1x128xi32, #tpu.memory_space<vmem>> -> memref<128xi32, #tpu.memory_space<vmem>>
      %dma_start3A_182 = arith.constant 0 : i32
      %dma_start3A_183 = arith.constant 0 : i32
      %dma_start3A_184 = tpu.memref_slice %arg14[%dma_start3A_182, %dma_start3A_183] : memref<1152x128xf32, #tpu.memory_space<vmem_shared>> -> memref<1152x128xf32, #tpu.memory_space<vmem_shared>>
      tpu.enqueue_indirect_dma source(%dma_start3A_178 : memref<128x128xf32, #tpu.memory_space<vmem>>) target(%dma_start3A_184 : memref<1152x128xf32, #tpu.memory_space<vmem_shared>>) offsets(%dma_start3A_181 : memref<128xi32, #tpu.memory_space<vmem>>) semaphore(%arg20 : memref<!tpu.dma_semaphore, #tpu.memory_space<semaphore_mem>>) {add = true}
      %get3A_185 = arith.index_cast %add3A_162 : i32 to index
      %get3A_186 = arith.constant 0 : index
      %get3A_187 = tpu.vector_load %arg10[%get3A_185, %get3A_186] {strides = array<i32>} : memref<16x128xi32, #tpu.memory_space<vmem>>, vector<16xi32>,
      tpu.vector_store_idx %arg12[%get3A_187], %broadcast_in_dim3A_11 {add = true} : memref<1152xf32, #tpu.memory_space<vmem>>[vector<16xi32>], vector<16xf32>,
      %get3A_188 = arith.index_cast %add3A_162 : i32 to index
      %get3A_189 = arith.constant 16 : index
      %get3A_190 = tpu.vector_load %arg10[%get3A_188, %get3A_189] {strides = array<i32>} : memref<16x128xi32, #tpu.memory_space<vmem>>, vector<16xi32>,
      tpu.vector_store_idx %arg12[%get3A_190], %broadcast_in_dim3A_11 {add = true} : memref<1152xf32, #tpu.memory_space<vmem>>[vector<16xi32>], vector<16xf32>,
      %get3A_191 = arith.index_cast %add3A_162 : i32 to index
      %get3A_192 = arith.constant 32 : index
      %get3A_193 = tpu.vector_load %arg10[%get3A_191, %get3A_192] {strides = array<i32>} : memref<16x128xi32, #tpu.memory_space<vmem>>, vector<16xi32>,
      tpu.vector_store_idx %arg12[%get3A_193], %broadcast_in_dim3A_11 {add = true} : memref<1152xf32, #tpu.memory_space<vmem>>[vector<16xi32>], vector<16xf32>,
      %get3A_194 = arith.index_cast %add3A_162 : i32 to index
      %get3A_195 = arith.constant 48 : index
      %get3A_196 = tpu.vector_load %arg10[%get3A_194, %get3A_195] {strides = array<i32>} : memref<16x128xi32, #tpu.memory_space<vmem>>, vector<16xi32>,
      tpu.vector_store_idx %arg12[%get3A_196], %broadcast_in_dim3A_11 {add = true} : memref<1152xf32, #tpu.memory_space<vmem>>[vector<16xi32>], vector<16xf32>,
      %get3A_197 = arith.index_cast %add3A_162 : i32 to index
      %get3A_198 = arith.constant 64 : index
      %get3A_199 = tpu.vector_load %arg10[%get3A_197, %get3A_198] {strides = array<i32>} : memref<16x128xi32, #tpu.memory_space<vmem>>, vector<16xi32>,
      tpu.vector_store_idx %arg12[%get3A_199], %broadcast_in_dim3A_11 {add = true} : memref<1152xf32, #tpu.memory_space<vmem>>[vector<16xi32>], vector<16xf32>,
      %get3A_200 = arith.index_cast %add3A_162 : i32 to index
      %get3A_201 = arith.constant 80 : index
      %get3A_202 = tpu.vector_load %arg10[%get3A_200, %get3A_201] {strides = array<i32>} : memref<16x128xi32, #tpu.memory_space<vmem>>, vector<16xi32>,
      tpu.vector_store_idx %arg12[%get3A_202], %broadcast_in_dim3A_11 {add = true} : memref<1152xf32, #tpu.memory_space<vmem>>[vector<16xi32>], vector<16xf32>,
      %get3A_203 = arith.index_cast %add3A_162 : i32 to index
      %get3A_204 = arith.constant 96 : index
      %get3A_205 = tpu.vector_load %arg10[%get3A_203, %get3A_204] {strides = array<i32>} : memref<16x128xi32, #tpu.memory_space<vmem>>, vector<16xi32>,
      tpu.vector_store_idx %arg12[%get3A_205], %broadcast_in_dim3A_11 {add = true} : memref<1152xf32, #tpu.memory_space<vmem>>[vector<16xi32>], vector<16xf32>,
      %get3A_206 = arith.index_cast %add3A_162 : i32 to index
      %get3A_207 = arith.constant 112 : index
      %get3A_208 = tpu.vector_load %arg10[%get3A_206, %get3A_207] {strides = array<i32>} : memref<16x128xi32, #tpu.memory_space<vmem>>, vector<16xi32>,
      tpu.vector_store_idx %arg12[%get3A_208], %broadcast_in_dim3A_11 {add = true} : memref<1152xf32, #tpu.memory_space<vmem>>[vector<16xi32>], vector<16xf32>,
      %add3A_209 = arith.constant 4 : i32
      %add3A_210 = arith.addi %add3A_162, %add3A_209 : i32
      %sub3A_211 = arith.constant 1 : i32
      %sub3A_212 = arith.subi %add3A_210, %sub3A_211 : i32
      %lt3A_213 = arith.constant 16 : i32
      %lt3A_214 = arith.cmpi slt, %sub3A_212, %lt3A_213 : i32
      %convert_element_type3A_215 = arith.extui %lt3A_214 : i1 to i32
      %cond3A_216 = arith.constant 0 : i32
      %cond3A_217 = arith.cmpi ne, %convert_element_type3A_215, %cond3A_216 : i32
      scf.if %cond3A_217 {
        %gt3A = arith.constant 0 : i32
        %gt3A_336 = arith.cmpi sgt, %add3A_162, %gt3A : i32
        %convert_element_type3A_337 = arith.extui %gt3A_336 : i1 to i32
        %cond3A_338 = arith.constant 0 : i32
        %cond3A_339 = arith.cmpi ne, %convert_element_type3A_337, %cond3A_338 : i32
        scf.if %cond3A_339 {
          %dma_wait3A_355 = arith.constant 0 : i32
          %dma_wait3A_356 = arith.constant 0 : i32
          %dma_wait3A_357 = arith.constant 0 : i32
          %dma_wait3A_358 = tpu.memref_slice %arg11[%dma_wait3A_355, %dma_wait3A_356, %dma_wait3A_357] : memref<4x128x128xf32, #tpu.memory_space<vmem>> -> memref<1x128x128xf32, #tpu.memory_space<vmem>>
          %dma_wait3A_359 = tpu.memref_squeeze %dma_wait3A_358 : memref<1x128x128xf32, #tpu.memory_space<vmem>> -> memref<128x128xf32, #tpu.memory_space<vmem>>
          %dma_wait3A_360 = arith.constant 0 : i32
          %dma_wait3A_361 = tpu.memref_slice %arg10[%add3A_162, %dma_wait3A_360] : memref<16x128xi32, #tpu.memory_space<vmem>> -> memref<1x128xi32, #tpu.memory_space<vmem>>
          %dma_wait3A_362 = tpu.memref_squeeze %dma_wait3A_361 : memref<1x128xi32, #tpu.memory_space<vmem>> -> memref<128xi32, #tpu.memory_space<vmem>>
          %dma_wait3A_363 = arith.constant 0 : i32
          %dma_wait3A_364 = arith.constant 0 : i32
          %dma_wait3A_365 = tpu.memref_slice %arg14[%dma_wait3A_363, %dma_wait3A_364] : memref<1152x128xf32, #tpu.memory_space<vmem_shared>> -> memref<1152x128xf32, #tpu.memory_space<vmem_shared>>
          tpu.wait_indirect_dma semaphore(%arg19 : memref<!tpu.dma_semaphore, #tpu.memory_space<semaphore_mem>>) src(%dma_wait3A_359 : memref<128x128xf32, #tpu.memory_space<vmem>>) dst(%dma_wait3A_365 : memref<1152x128xf32, #tpu.memory_space<vmem_shared>>)
        } else {
        }
        %add3A_340 = arith.constant 4 : i32
        %add3A_341 = arith.addi %add3A_162, %add3A_340 : i32
        %sub3A_342 = arith.constant 1 : i32
        %sub3A_343 = arith.subi %add3A_341, %sub3A_342 : i32
        %dma_start3A_344 = arith.constant 0 : i32
        %dma_start3A_345 = arith.constant 0 : i32
        %dma_start3A_346 = arith.constant 0 : i32
        %dma_start3A_347 = tpu.memref_slice %arg11[%dma_start3A_344, %dma_start3A_345, %dma_start3A_346] : memref<4x128x128xf32, #tpu.memory_space<vmem>> -> memref<1x128x128xf32, #tpu.memory_space<vmem>>
        %dma_start3A_348 = tpu.memref_squeeze %dma_start3A_347 : memref<1x128x128xf32, #tpu.memory_space<vmem>> -> memref<128x128xf32, #tpu.memory_space<vmem>>
        %dma_start3A_349 = arith.constant 0 : i32
        %dma_start3A_350 = tpu.memref_slice %arg9[%sub3A_343, %dma_start3A_349] : memref<16x128xi32, #tpu.memory_space<vmem>> -> memref<1x128xi32, #tpu.memory_space<vmem>>
        %dma_start3A_351 = tpu.memref_squeeze %dma_start3A_350 : memref<1x128xi32, #tpu.memory_space<vmem>> -> memref<128xi32, #tpu.memory_space<vmem>>
        %dma_start3A_352 = arith.constant 0 : i32
        %dma_start3A_353 = arith.constant 0 : i32
        %dma_start3A_354 = tpu.memref_slice %arg13[%dma_start3A_352, %dma_start3A_353] : memref<1024x128xf32, #tpu.memory_space<vmem_shared>> -> memref<1024x128xf32, #tpu.memory_space<vmem_shared>>
        tpu.enqueue_indirect_dma source(%dma_start3A_354 : memref<1024x128xf32, #tpu.memory_space<vmem_shared>>) target(%dma_start3A_348 : memref<128x128xf32, #tpu.memory_space<vmem>>) offsets(%dma_start3A_351 : memref<128xi32, #tpu.memory_space<vmem>>) semaphore(%arg15 : memref<!tpu.dma_semaphore, #tpu.memory_space<semaphore_mem>>)
      } else {
      }
      %mul3A_218 = arith.constant 4 : i32
      %mul3A_219 = arith.muli %mul3A_218, %scan3A_104 : i32
      %add3A_220 = arith.constant 2 : i32
      %add3A_221 = arith.addi %mul3A_219, %add3A_220 : i32
      %dma_wait3A_222 = arith.constant 2 : i32
      %dma_wait3A_223 = arith.constant 0 : i32
      %dma_wait3A_224 = arith.constant 0 : i32
      %dma_wait3A_225 = tpu.memref_slice %arg11[%dma_wait3A_222, %dma_wait3A_223, %dma_wait3A_224] : memref<4x128x128xf32, #tpu.memory_space<vmem>> -> memref<1x128x128xf32, #tpu.memory_space<vmem>>
      %dma_wait3A_226 = tpu.memref_squeeze %dma_wait3A_225 : memref<1x128x128xf32, #tpu.memory_space<vmem>> -> memref<128x128xf32, #tpu.memory_space<vmem>>
      %dma_wait3A_227 = arith.constant 0 : i32
      %dma_wait3A_228 = tpu.memref_slice %arg9[%add3A_221, %dma_wait3A_227] : memref<16x128xi32, #tpu.memory_space<vmem>> -> memref<1x128xi32, #tpu.memory_space<vmem>>
      %dma_wait3A_229 = tpu.memref_squeeze %dma_wait3A_228 : memref<1x128xi32, #tpu.memory_space<vmem>> -> memref<128xi32, #tpu.memory_space<vmem>>
      %dma_wait3A_230 = arith.constant 0 : i32
      %dma_wait3A_231 = arith.constant 0 : i32
      %dma_wait3A_232 = tpu.memref_slice %arg13[%dma_wait3A_230, %dma_wait3A_231] : memref<1024x128xf32, #tpu.memory_space<vmem_shared>> -> memref<1024x128xf32, #tpu.memory_space<vmem_shared>>
      tpu.wait_indirect_dma semaphore(%arg17 : memref<!tpu.dma_semaphore, #tpu.memory_space<semaphore_mem>>) src(%dma_wait3A_232 : memref<1024x128xf32, #tpu.memory_space<vmem_shared>>) dst(%dma_wait3A_226 : memref<128x128xf32, #tpu.memory_space<vmem>>)
      %dma_start3A_233 = arith.constant 2 : i32
      %dma_start3A_234 = arith.constant 0 : i32
      %dma_start3A_235 = arith.constant 0 : i32
      %dma_start3A_236 = tpu.memref_slice %arg11[%dma_start3A_233, %dma_start3A_234, %dma_start3A_235] : memref<4x128x128xf32, #tpu.memory_space<vmem>> -> memref<1x128x128xf32, #tpu.memory_space<vmem>>
      %dma_start3A_237 = tpu.memref_squeeze %dma_start3A_236 : memref<1x128x128xf32, #tpu.memory_space<vmem>> -> memref<128x128xf32, #tpu.memory_space<vmem>>
      %dma_start3A_238 = arith.constant 0 : i32
      %dma_start3A_239 = tpu.memref_slice %arg10[%add3A_221, %dma_start3A_238] : memref<16x128xi32, #tpu.memory_space<vmem>> -> memref<1x128xi32, #tpu.memory_space<vmem>>
      %dma_start3A_240 = tpu.memref_squeeze %dma_start3A_239 : memref<1x128xi32, #tpu.memory_space<vmem>> -> memref<128xi32, #tpu.memory_space<vmem>>
      %dma_start3A_241 = arith.constant 0 : i32
      %dma_start3A_242 = arith.constant 0 : i32
      %dma_start3A_243 = tpu.memref_slice %arg14[%dma_start3A_241, %dma_start3A_242] : memref<1152x128xf32, #tpu.memory_space<vmem_shared>> -> memref<1152x128xf32, #tpu.memory_space<vmem_shared>>
      tpu.enqueue_indirect_dma source(%dma_start3A_237 : memref<128x128xf32, #tpu.memory_space<vmem>>) target(%dma_start3A_243 : memref<1152x128xf32, #tpu.memory_space<vmem_shared>>) offsets(%dma_start3A_240 : memref<128xi32, #tpu.memory_space<vmem>>) semaphore(%arg21 : memref<!tpu.dma_semaphore, #tpu.memory_space<semaphore_mem>>) {add = true}
      %get3A_244 = arith.index_cast %add3A_221 : i32 to index
      %get3A_245 = arith.constant 0 : index
      %get3A_246 = tpu.vector_load %arg10[%get3A_244, %get3A_245] {strides = array<i32>} : memref<16x128xi32, #tpu.memory_space<vmem>>, vector<16xi32>,
      tpu.vector_store_idx %arg12[%get3A_246], %broadcast_in_dim3A_11 {add = true} : memref<1152xf32, #tpu.memory_space<vmem>>[vector<16xi32>], vector<16xf32>,
      %get3A_247 = arith.index_cast %add3A_221 : i32 to index
      %get3A_248 = arith.constant 16 : index
      %get3A_249 = tpu.vector_load %arg10[%get3A_247, %get3A_248] {strides = array<i32>} : memref<16x128xi32, #tpu.memory_space<vmem>>, vector<16xi32>,
      tpu.vector_store_idx %arg12[%get3A_249], %broadcast_in_dim3A_11 {add = true} : memref<1152xf32, #tpu.memory_space<vmem>>[vector<16xi32>], vector<16xf32>,
      %get3A_250 = arith.index_cast %add3A_221 : i32 to index
      %get3A_251 = arith.constant 32 : index
      %get3A_252 = tpu.vector_load %arg10[%get3A_250, %get3A_251] {strides = array<i32>} : memref<16x128xi32, #tpu.memory_space<vmem>>, vector<16xi32>,
      tpu.vector_store_idx %arg12[%get3A_252], %broadcast_in_dim3A_11 {add = true} : memref<1152xf32, #tpu.memory_space<vmem>>[vector<16xi32>], vector<16xf32>,
      %get3A_253 = arith.index_cast %add3A_221 : i32 to index
      %get3A_254 = arith.constant 48 : index
      %get3A_255 = tpu.vector_load %arg10[%get3A_253, %get3A_254] {strides = array<i32>} : memref<16x128xi32, #tpu.memory_space<vmem>>, vector<16xi32>,
      tpu.vector_store_idx %arg12[%get3A_255], %broadcast_in_dim3A_11 {add = true} : memref<1152xf32, #tpu.memory_space<vmem>>[vector<16xi32>], vector<16xf32>,
      %get3A_256 = arith.index_cast %add3A_221 : i32 to index
      %get3A_257 = arith.constant 64 : index
      %get3A_258 = tpu.vector_load %arg10[%get3A_256, %get3A_257] {strides = array<i32>} : memref<16x128xi32, #tpu.memory_space<vmem>>, vector<16xi32>,
      tpu.vector_store_idx %arg12[%get3A_258], %broadcast_in_dim3A_11 {add = true} : memref<1152xf32, #tpu.memory_space<vmem>>[vector<16xi32>], vector<16xf32>,
      %get3A_259 = arith.index_cast %add3A_221 : i32 to index
      %get3A_260 = arith.constant 80 : index
      %get3A_261 = tpu.vector_load %arg10[%get3A_259, %get3A_260] {strides = array<i32>} : memref<16x128xi32, #tpu.memory_space<vmem>>, vector<16xi32>,
      tpu.vector_store_idx %arg12[%get3A_261], %broadcast_in_dim3A_11 {add = true} : memref<1152xf32, #tpu.memory_space<vmem>>[vector<16xi32>], vector<16xf32>,
      %get3A_262 = arith.index_cast %add3A_221 : i32 to index
      %get3A_263 = arith.constant 96 : index
      %get3A_264 = tpu.vector_load %arg10[%get3A_262, %get3A_263] {strides = array<i32>} : memref<16x128xi32, #tpu.memory_space<vmem>>, vector<16xi32>,
      tpu.vector_store_idx %arg12[%get3A_264], %broadcast_in_dim3A_11 {add = true} : memref<1152xf32, #tpu.memory_space<vmem>>[vector<16xi32>], vector<16xf32>,
      %get3A_265 = arith.index_cast %add3A_221 : i32 to index
      %get3A_266 = arith.constant 112 : index
      %get3A_267 = tpu.vector_load %arg10[%get3A_265, %get3A_266] {strides = array<i32>} : memref<16x128xi32, #tpu.memory_space<vmem>>, vector<16xi32>,
      tpu.vector_store_idx %arg12[%get3A_267], %broadcast_in_dim3A_11 {add = true} : memref<1152xf32, #tpu.memory_space<vmem>>[vector<16xi32>], vector<16xf32>,
      %add3A_268 = arith.constant 4 : i32
      %add3A_269 = arith.addi %add3A_221, %add3A_268 : i32
      %sub3A_270 = arith.constant 1 : i32
      %sub3A_271 = arith.subi %add3A_269, %sub3A_270 : i32
      %lt3A_272 = arith.constant 16 : i32
      %lt3A_273 = arith.cmpi slt, %sub3A_271, %lt3A_272 : i32
      %convert_element_type3A_274 = arith.extui %lt3A_273 : i1 to i32
      %cond3A_275 = arith.constant 0 : i32
      %cond3A_276 = arith.cmpi ne, %convert_element_type3A_274, %cond3A_275 : i32
      scf.if %cond3A_276 {
        %gt3A = arith.constant 0 : i32
        %gt3A_336 = arith.cmpi sgt, %add3A_221, %gt3A : i32
        %convert_element_type3A_337 = arith.extui %gt3A_336 : i1 to i32
        %cond3A_338 = arith.constant 0 : i32
        %cond3A_339 = arith.cmpi ne, %convert_element_type3A_337, %cond3A_338 : i32
        scf.if %cond3A_339 {
          %dma_wait3A_355 = arith.constant 1 : i32
          %dma_wait3A_356 = arith.constant 0 : i32
          %dma_wait3A_357 = arith.constant 0 : i32
          %dma_wait3A_358 = tpu.memref_slice %arg11[%dma_wait3A_355, %dma_wait3A_356, %dma_wait3A_357] : memref<4x128x128xf32, #tpu.memory_space<vmem>> -> memref<1x128x128xf32, #tpu.memory_space<vmem>>
          %dma_wait3A_359 = tpu.memref_squeeze %dma_wait3A_358 : memref<1x128x128xf32, #tpu.memory_space<vmem>> -> memref<128x128xf32, #tpu.memory_space<vmem>>
          %dma_wait3A_360 = arith.constant 0 : i32
          %dma_wait3A_361 = tpu.memref_slice %arg10[%add3A_221, %dma_wait3A_360] : memref<16x128xi32, #tpu.memory_space<vmem>> -> memref<1x128xi32, #tpu.memory_space<vmem>>
          %dma_wait3A_362 = tpu.memref_squeeze %dma_wait3A_361 : memref<1x128xi32, #tpu.memory_space<vmem>> -> memref<128xi32, #tpu.memory_space<vmem>>
          %dma_wait3A_363 = arith.constant 0 : i32
          %dma_wait3A_364 = arith.constant 0 : i32
          %dma_wait3A_365 = tpu.memref_slice %arg14[%dma_wait3A_363, %dma_wait3A_364] : memref<1152x128xf32, #tpu.memory_space<vmem_shared>> -> memref<1152x128xf32, #tpu.memory_space<vmem_shared>>
          tpu.wait_indirect_dma semaphore(%arg20 : memref<!tpu.dma_semaphore, #tpu.memory_space<semaphore_mem>>) src(%dma_wait3A_359 : memref<128x128xf32, #tpu.memory_space<vmem>>) dst(%dma_wait3A_365 : memref<1152x128xf32, #tpu.memory_space<vmem_shared>>)
        } else {
        }
        %add3A_340 = arith.constant 4 : i32
        %add3A_341 = arith.addi %add3A_221, %add3A_340 : i32
        %sub3A_342 = arith.constant 1 : i32
        %sub3A_343 = arith.subi %add3A_341, %sub3A_342 : i32
        %dma_start3A_344 = arith.constant 1 : i32
        %dma_start3A_345 = arith.constant 0 : i32
        %dma_start3A_346 = arith.constant 0 : i32
        %dma_start3A_347 = tpu.memref_slice %arg11[%dma_start3A_344, %dma_start3A_345, %dma_start3A_346] : memref<4x128x128xf32, #tpu.memory_space<vmem>> -> memref<1x128x128xf32, #tpu.memory_space<vmem>>
        %dma_start3A_348 = tpu.memref_squeeze %dma_start3A_347 : memref<1x128x128xf32, #tpu.memory_space<vmem>> -> memref<128x128xf32, #tpu.memory_space<vmem>>
        %dma_start3A_349 = arith.constant 0 : i32
        %dma_start3A_350 = tpu.memref_slice %arg9[%sub3A_343, %dma_start3A_349] : memref<16x128xi32, #tpu.memory_space<vmem>> -> memref<1x128xi32, #tpu.memory_space<vmem>>
        %dma_start3A_351 = tpu.memref_squeeze %dma_start3A_350 : memref<1x128xi32, #tpu.memory_space<vmem>> -> memref<128xi32, #tpu.memory_space<vmem>>
        %dma_start3A_352 = arith.constant 0 : i32
        %dma_start3A_353 = arith.constant 0 : i32
        %dma_start3A_354 = tpu.memref_slice %arg13[%dma_start3A_352, %dma_start3A_353] : memref<1024x128xf32, #tpu.memory_space<vmem_shared>> -> memref<1024x128xf32, #tpu.memory_space<vmem_shared>>
        tpu.enqueue_indirect_dma source(%dma_start3A_354 : memref<1024x128xf32, #tpu.memory_space<vmem_shared>>) target(%dma_start3A_348 : memref<128x128xf32, #tpu.memory_space<vmem>>) offsets(%dma_start3A_351 : memref<128xi32, #tpu.memory_space<vmem>>) semaphore(%arg16 : memref<!tpu.dma_semaphore, #tpu.memory_space<semaphore_mem>>)
      } else {
      }
      %mul3A_277 = arith.constant 4 : i32
      %mul3A_278 = arith.muli %mul3A_277, %scan3A_104 : i32
      %add3A_279 = arith.constant 3 : i32
      %add3A_280 = arith.addi %mul3A_278, %add3A_279 : i32
      %dma_wait3A_281 = arith.constant 3 : i32
      %dma_wait3A_282 = arith.constant 0 : i32
      %dma_wait3A_283 = arith.constant 0 : i32
      %dma_wait3A_284 = tpu.memref_slice %arg11[%dma_wait3A_281, %dma_wait3A_282, %dma_wait3A_283] : memref<4x128x128xf32, #tpu.memory_space<vmem>> -> memref<1x128x128xf32, #tpu.memory_space<vmem>>
      %dma_wait3A_285 = tpu.memref_squeeze %dma_wait3A_284 : memref<1x128x128xf32, #tpu.memory_space<vmem>> -> memref<128x128xf32, #tpu.memory_space<vmem>>
      %dma_wait3A_286 = arith.constant 0 : i32
      %dma_wait3A_287 = tpu.memref_slice %arg9[%add3A_280, %dma_wait3A_286] : memref<16x128xi32, #tpu.memory_space<vmem>> -> memref<1x128xi32, #tpu.memory_space<vmem>>
      %dma_wait3A_288 = tpu.memref_squeeze %dma_wait3A_287 : memref<1x128xi32, #tpu.memory_space<vmem>> -> memref<128xi32, #tpu.memory_space<vmem>>
      %dma_wait3A_289 = arith.constant 0 : i32
      %dma_wait3A_290 = arith.constant 0 : i32
      %dma_wait3A_291 = tpu.memref_slice %arg13[%dma_wait3A_289, %dma_wait3A_290] : memref<1024x128xf32, #tpu.memory_space<vmem_shared>> -> memref<1024x128xf32, #tpu.memory_space<vmem_shared>>
      tpu.wait_indirect_dma semaphore(%arg18 : memref<!tpu.dma_semaphore, #tpu.memory_space<semaphore_mem>>) src(%dma_wait3A_291 : memref<1024x128xf32, #tpu.memory_space<vmem_shared>>) dst(%dma_wait3A_285 : memref<128x128xf32, #tpu.memory_space<vmem>>)
      %dma_start3A_292 = arith.constant 3 : i32
      %dma_start3A_293 = arith.constant 0 : i32
      %dma_start3A_294 = arith.constant 0 : i32
      %dma_start3A_295 = tpu.memref_slice %arg11[%dma_start3A_292, %dma_start3A_293, %dma_start3A_294] : memref<4x128x128xf32, #tpu.memory_space<vmem>> -> memref<1x128x128xf32, #tpu.memory_space<vmem>>
      %dma_start3A_296 = tpu.memref_squeeze %dma_start3A_295 : memref<1x128x128xf32, #tpu.memory_space<vmem>> -> memref<128x128xf32, #tpu.memory_space<vmem>>
      %dma_start3A_297 = arith.constant 0 : i32
      %dma_start3A_298 = tpu.memref_slice %arg10[%add3A_280, %dma_start3A_297] : memref<16x128xi32, #tpu.memory_space<vmem>> -> memref<1x128xi32, #tpu.memory_space<vmem>>
      %dma_start3A_299 = tpu.memref_squeeze %dma_start3A_298 : memref<1x128xi32, #tpu.memory_space<vmem>> -> memref<128xi32, #tpu.memory_space<vmem>>
      %dma_start3A_300 = arith.constant 0 : i32
      %dma_start3A_301 = arith.constant 0 : i32
      %dma_start3A_302 = tpu.memref_slice %arg14[%dma_start3A_300, %dma_start3A_301] : memref<1152x128xf32, #tpu.memory_space<vmem_shared>> -> memref<1152x128xf32, #tpu.memory_space<vmem_shared>>
      tpu.enqueue_indirect_dma source(%dma_start3A_296 : memref<128x128xf32, #tpu.memory_space<vmem>>) target(%dma_start3A_302 : memref<1152x128xf32, #tpu.memory_space<vmem_shared>>) offsets(%dma_start3A_299 : memref<128xi32, #tpu.memory_space<vmem>>) semaphore(%arg22 : memref<!tpu.dma_semaphore, #tpu.memory_space<semaphore_mem>>) {add = true}
      %get3A_303 = arith.index_cast %add3A_280 : i32 to index
      %get3A_304 = arith.constant 0 : index
      %get3A_305 = tpu.vector_load %arg10[%get3A_303, %get3A_304] {strides = array<i32>} : memref<16x128xi32, #tpu.memory_space<vmem>>, vector<16xi32>,
      tpu.vector_store_idx %arg12[%get3A_305], %broadcast_in_dim3A_11 {add = true} : memref<1152xf32, #tpu.memory_space<vmem>>[vector<16xi32>], vector<16xf32>,
      %get3A_306 = arith.index_cast %add3A_280 : i32 to index
      %get3A_307 = arith.constant 16 : index
      %get3A_308 = tpu.vector_load %arg10[%get3A_306, %get3A_307] {strides = array<i32>} : memref<16x128xi32, #tpu.memory_space<vmem>>, vector<16xi32>,
      tpu.vector_store_idx %arg12[%get3A_308], %broadcast_in_dim3A_11 {add = true} : memref<1152xf32, #tpu.memory_space<vmem>>[vector<16xi32>], vector<16xf32>,
      %get3A_309 = arith.index_cast %add3A_280 : i32 to index
      %get3A_310 = arith.constant 32 : index
      %get3A_311 = tpu.vector_load %arg10[%get3A_309, %get3A_310] {strides = array<i32>} : memref<16x128xi32, #tpu.memory_space<vmem>>, vector<16xi32>,
      tpu.vector_store_idx %arg12[%get3A_311], %broadcast_in_dim3A_11 {add = true} : memref<1152xf32, #tpu.memory_space<vmem>>[vector<16xi32>], vector<16xf32>,
      %get3A_312 = arith.index_cast %add3A_280 : i32 to index
      %get3A_313 = arith.constant 48 : index
      %get3A_314 = tpu.vector_load %arg10[%get3A_312, %get3A_313] {strides = array<i32>} : memref<16x128xi32, #tpu.memory_space<vmem>>, vector<16xi32>,
      tpu.vector_store_idx %arg12[%get3A_314], %broadcast_in_dim3A_11 {add = true} : memref<1152xf32, #tpu.memory_space<vmem>>[vector<16xi32>], vector<16xf32>,
      %get3A_315 = arith.index_cast %add3A_280 : i32 to index
      %get3A_316 = arith.constant 64 : index
      %get3A_317 = tpu.vector_load %arg10[%get3A_315, %get3A_316] {strides = array<i32>} : memref<16x128xi32, #tpu.memory_space<vmem>>, vector<16xi32>,
      tpu.vector_store_idx %arg12[%get3A_317], %broadcast_in_dim3A_11 {add = true} : memref<1152xf32, #tpu.memory_space<vmem>>[vector<16xi32>], vector<16xf32>,
      %get3A_318 = arith.index_cast %add3A_280 : i32 to index
      %get3A_319 = arith.constant 80 : index
      %get3A_320 = tpu.vector_load %arg10[%get3A_318, %get3A_319] {strides = array<i32>} : memref<16x128xi32, #tpu.memory_space<vmem>>, vector<16xi32>,
      tpu.vector_store_idx %arg12[%get3A_320], %broadcast_in_dim3A_11 {add = true} : memref<1152xf32, #tpu.memory_space<vmem>>[vector<16xi32>], vector<16xf32>,
      %get3A_321 = arith.index_cast %add3A_280 : i32 to index
      %get3A_322 = arith.constant 96 : index
      %get3A_323 = tpu.vector_load %arg10[%get3A_321, %get3A_322] {strides = array<i32>} : memref<16x128xi32, #tpu.memory_space<vmem>>, vector<16xi32>,
      tpu.vector_store_idx %arg12[%get3A_323], %broadcast_in_dim3A_11 {add = true} : memref<1152xf32, #tpu.memory_space<vmem>>[vector<16xi32>], vector<16xf32>,
      %get3A_324 = arith.index_cast %add3A_280 : i32 to index
      %get3A_325 = arith.constant 112 : index
      %get3A_326 = tpu.vector_load %arg10[%get3A_324, %get3A_325] {strides = array<i32>} : memref<16x128xi32, #tpu.memory_space<vmem>>, vector<16xi32>,
      tpu.vector_store_idx %arg12[%get3A_326], %broadcast_in_dim3A_11 {add = true} : memref<1152xf32, #tpu.memory_space<vmem>>[vector<16xi32>], vector<16xf32>,
      %add3A_327 = arith.constant 4 : i32
      %add3A_328 = arith.addi %add3A_280, %add3A_327 : i32
      %sub3A_329 = arith.constant 1 : i32
      %sub3A_330 = arith.subi %add3A_328, %sub3A_329 : i32
      %lt3A_331 = arith.constant 16 : i32
      %lt3A_332 = arith.cmpi slt, %sub3A_330, %lt3A_331 : i32
      %convert_element_type3A_333 = arith.extui %lt3A_332 : i1 to i32
      %cond3A_334 = arith.constant 0 : i32
      %cond3A_335 = arith.cmpi ne, %convert_element_type3A_333, %cond3A_334 : i32
      scf.if %cond3A_335 {
        %gt3A = arith.constant 0 : i32
        %gt3A_336 = arith.cmpi sgt, %add3A_280, %gt3A : i32
        %convert_element_type3A_337 = arith.extui %gt3A_336 : i1 to i32
        %cond3A_338 = arith.constant 0 : i32
        %cond3A_339 = arith.cmpi ne, %convert_element_type3A_337, %cond3A_338 : i32
        scf.if %cond3A_339 {
          %dma_wait3A_355 = arith.constant 2 : i32
          %dma_wait3A_356 = arith.constant 0 : i32
          %dma_wait3A_357 = arith.constant 0 : i32
          %dma_wait3A_358 = tpu.memref_slice %arg11[%dma_wait3A_355, %dma_wait3A_356, %dma_wait3A_357] : memref<4x128x128xf32, #tpu.memory_space<vmem>> -> memref<1x128x128xf32, #tpu.memory_space<vmem>>
          %dma_wait3A_359 = tpu.memref_squeeze %dma_wait3A_358 : memref<1x128x128xf32, #tpu.memory_space<vmem>> -> memref<128x128xf32, #tpu.memory_space<vmem>>
          %dma_wait3A_360 = arith.constant 0 : i32
          %dma_wait3A_361 = tpu.memref_slice %arg10[%add3A_280, %dma_wait3A_360] : memref<16x128xi32, #tpu.memory_space<vmem>> -> memref<1x128xi32, #tpu.memory_space<vmem>>
          %dma_wait3A_362 = tpu.memref_squeeze %dma_wait3A_361 : memref<1x128xi32, #tpu.memory_space<vmem>> -> memref<128xi32, #tpu.memory_space<vmem>>
          %dma_wait3A_363 = arith.constant 0 : i32
          %dma_wait3A_364 = arith.constant 0 : i32
          %dma_wait3A_365 = tpu.memref_slice %arg14[%dma_wait3A_363, %dma_wait3A_364] : memref<1152x128xf32, #tpu.memory_space<vmem_shared>> -> memref<1152x128xf32, #tpu.memory_space<vmem_shared>>
          tpu.wait_indirect_dma semaphore(%arg21 : memref<!tpu.dma_semaphore, #tpu.memory_space<semaphore_mem>>) src(%dma_wait3A_359 : memref<128x128xf32, #tpu.memory_space<vmem>>) dst(%dma_wait3A_365 : memref<1152x128xf32, #tpu.memory_space<vmem_shared>>)
        } else {
        }
        %add3A_340 = arith.constant 4 : i32
        %add3A_341 = arith.addi %add3A_280, %add3A_340 : i32
        %sub3A_342 = arith.constant 1 : i32
        %sub3A_343 = arith.subi %add3A_341, %sub3A_342 : i32
        %dma_start3A_344 = arith.constant 2 : i32
        %dma_start3A_345 = arith.constant 0 : i32
        %dma_start3A_346 = arith.constant 0 : i32
        %dma_start3A_347 = tpu.memref_slice %arg11[%dma_start3A_344, %dma_start3A_345, %dma_start3A_346] : memref<4x128x128xf32, #tpu.memory_space<vmem>> -> memref<1x128x128xf32, #tpu.memory_space<vmem>>
        %dma_start3A_348 = tpu.memref_squeeze %dma_start3A_347 : memref<1x128x128xf32, #tpu.memory_space<vmem>> -> memref<128x128xf32, #tpu.memory_space<vmem>>
        %dma_start3A_349 = arith.constant 0 : i32
        %dma_start3A_350 = tpu.memref_slice %arg9[%sub3A_343, %dma_start3A_349] : memref<16x128xi32, #tpu.memory_space<vmem>> -> memref<1x128xi32, #tpu.memory_space<vmem>>
        %dma_start3A_351 = tpu.memref_squeeze %dma_start3A_350 : memref<1x128xi32, #tpu.memory_space<vmem>> -> memref<128xi32, #tpu.memory_space<vmem>>
        %dma_start3A_352 = arith.constant 0 : i32
        %dma_start3A_353 = arith.constant 0 : i32
        %dma_start3A_354 = tpu.memref_slice %arg13[%dma_start3A_352, %dma_start3A_353] : memref<1024x128xf32, #tpu.memory_space<vmem_shared>> -> memref<1024x128xf32, #tpu.memory_space<vmem_shared>>
        tpu.enqueue_indirect_dma source(%dma_start3A_354 : memref<1024x128xf32, #tpu.memory_space<vmem_shared>>) target(%dma_start3A_348 : memref<128x128xf32, #tpu.memory_space<vmem>>) offsets(%dma_start3A_351 : memref<128xi32, #tpu.memory_space<vmem>>) semaphore(%arg17 : memref<!tpu.dma_semaphore, #tpu.memory_space<semaphore_mem>>)
      } else {
      }
    }
    %scan3A_51 = arith.constant 4 : i32
    %dma_wait3A = arith.constant 0 : i32
    %dma_wait3A_52 = arith.constant 12 : i32
    %dma_wait3A_53 = arith.constant 0 : i32
    %dma_wait3A_54 = arith.constant 0 : i32
    %dma_wait3A_55 = tpu.memref_slice %arg11[%dma_wait3A, %dma_wait3A_53, %dma_wait3A_54] : memref<4x128x128xf32, #tpu.memory_space<vmem>> -> memref<1x128x128xf32, #tpu.memory_space<vmem>>
    %dma_wait3A_56 = tpu.memref_squeeze %dma_wait3A_55 : memref<1x128x128xf32, #tpu.memory_space<vmem>> -> memref<128x128xf32, #tpu.memory_space<vmem>>
    %dma_wait3A_57 = arith.constant 0 : i32
    %dma_wait3A_58 = tpu.memref_slice %arg10[%dma_wait3A_52, %dma_wait3A_57] : memref<16x128xi32, #tpu.memory_space<vmem>> -> memref<1x128xi32, #tpu.memory_space<vmem>>
    %dma_wait3A_59 = tpu.memref_squeeze %dma_wait3A_58 : memref<1x128xi32, #tpu.memory_space<vmem>> -> memref<128xi32, #tpu.memory_space<vmem>>
    %dma_wait3A_60 = arith.constant 0 : i32
    %dma_wait3A_61 = arith.constant 0 : i32
    %dma_wait3A_62 = tpu.memref_slice %arg14[%dma_wait3A_60, %dma_wait3A_61] : memref<1152x128xf32, #tpu.memory_space<vmem_shared>> -> memref<1152x128xf32, #tpu.memory_space<vmem_shared>>
    tpu.wait_indirect_dma semaphore(%arg19 : memref<!tpu.dma_semaphore, #tpu.memory_space<semaphore_mem>>) src(%dma_wait3A_56 : memref<128x128xf32, #tpu.memory_space<vmem>>) dst(%dma_wait3A_62 : memref<1152x128xf32, #tpu.memory_space<vmem_shared>>)
    %dma_wait3A_63 = arith.constant 1 : i32
    %dma_wait3A_64 = arith.constant 13 : i32
    %dma_wait3A_65 = arith.constant 0 : i32
    %dma_wait3A_66 = arith.constant 0 : i32
    %dma_wait3A_67 = tpu.memref_slice %arg11[%dma_wait3A_63, %dma_wait3A_65, %dma_wait3A_66] : memref<4x128x128xf32, #tpu.memory_space<vmem>> -> memref<1x128x128xf32, #tpu.memory_space<vmem>>
    %dma_wait3A_68 = tpu.memref_squeeze %dma_wait3A_67 : memref<1x128x128xf32, #tpu.memory_space<vmem>> -> memref<128x128xf32, #tpu.memory_space<vmem>>
    %dma_wait3A_69 = arith.constant 0 : i32
    %dma_wait3A_70 = tpu.memref_slice %arg10[%dma_wait3A_64, %dma_wait3A_69] : memref<16x128xi32, #tpu.memory_space<vmem>> -> memref<1x128xi32, #tpu.memory_space<vmem>>
    %dma_wait3A_71 = tpu.memref_squeeze %dma_wait3A_70 : memref<1x128xi32, #tpu.memory_space<vmem>> -> memref<128xi32, #tpu.memory_space<vmem>>
    %dma_wait3A_72 = arith.constant 0 : i32
    %dma_wait3A_73 = arith.constant 0 : i32
    %dma_wait3A_74 = tpu.memref_slice %arg14[%dma_wait3A_72, %dma_wait3A_73] : memref<1152x128xf32, #tpu.memory_space<vmem_shared>> -> memref<1152x128xf32, #tpu.memory_space<vmem_shared>>
    tpu.wait_indirect_dma semaphore(%arg20 : memref<!tpu.dma_semaphore, #tpu.memory_space<semaphore_mem>>) src(%dma_wait3A_68 : memref<128x128xf32, #tpu.memory_space<vmem>>) dst(%dma_wait3A_74 : memref<1152x128xf32, #tpu.memory_space<vmem_shared>>)
    %dma_wait3A_75 = arith.constant 2 : i32
    %dma_wait3A_76 = arith.constant 14 : i32
    %dma_wait3A_77 = arith.constant 0 : i32
    %dma_wait3A_78 = arith.constant 0 : i32
    %dma_wait3A_79 = tpu.memref_slice %arg11[%dma_wait3A_75, %dma_wait3A_77, %dma_wait3A_78] : memref<4x128x128xf32, #tpu.memory_space<vmem>> -> memref<1x128x128xf32, #tpu.memory_space<vmem>>
    %dma_wait3A_80 = tpu.memref_squeeze %dma_wait3A_79 : memref<1x128x128xf32, #tpu.memory_space<vmem>> -> memref<128x128xf32, #tpu.memory_space<vmem>>
    %dma_wait3A_81 = arith.constant 0 : i32
    %dma_wait3A_82 = tpu.memref_slice %arg10[%dma_wait3A_76, %dma_wait3A_81] : memref<16x128xi32, #tpu.memory_space<vmem>> -> memref<1x128xi32, #tpu.memory_space<vmem>>
    %dma_wait3A_83 = tpu.memref_squeeze %dma_wait3A_82 : memref<1x128xi32, #tpu.memory_space<vmem>> -> memref<128xi32, #tpu.memory_space<vmem>>
    %dma_wait3A_84 = arith.constant 0 : i32
    %dma_wait3A_85 = arith.constant 0 : i32
    %dma_wait3A_86 = tpu.memref_slice %arg14[%dma_wait3A_84, %dma_wait3A_85] : memref<1152x128xf32, #tpu.memory_space<vmem_shared>> -> memref<1152x128xf32, #tpu.memory_space<vmem_shared>>
    tpu.wait_indirect_dma semaphore(%arg21 : memref<!tpu.dma_semaphore, #tpu.memory_space<semaphore_mem>>) src(%dma_wait3A_80 : memref<128x128xf32, #tpu.memory_space<vmem>>) dst(%dma_wait3A_86 : memref<1152x128xf32, #tpu.memory_space<vmem_shared>>)
    %dma_wait3A_87 = arith.constant 3 : i32
    %dma_wait3A_88 = arith.constant 15 : i32
    %dma_wait3A_89 = arith.constant 0 : i32
    %dma_wait3A_90 = arith.constant 0 : i32
    %dma_wait3A_91 = tpu.memref_slice %arg11[%dma_wait3A_87, %dma_wait3A_89, %dma_wait3A_90] : memref<4x128x128xf32, #tpu.memory_space<vmem>> -> memref<1x128x128xf32, #tpu.memory_space<vmem>>
    %dma_wait3A_92 = tpu.memref_squeeze %dma_wait3A_91 : memref<1x128x128xf32, #tpu.memory_space<vmem>> -> memref<128x128xf32, #tpu.memory_space<vmem>>
    %dma_wait3A_93 = arith.constant 0 : i32
    %dma_wait3A_94 = tpu.memref_slice %arg10[%dma_wait3A_88, %dma_wait3A_93] : memref<16x128xi32, #tpu.memory_space<vmem>> -> memref<1x128xi32, #tpu.memory_space<vmem>>
    %dma_wait3A_95 = tpu.memref_squeeze %dma_wait3A_94 : memref<1x128xi32, #tpu.memory_space<vmem>> -> memref<128xi32, #tpu.memory_space<vmem>>
    %dma_wait3A_96 = arith.constant 0 : i32
    %dma_wait3A_97 = arith.constant 0 : i32
    %dma_wait3A_98 = tpu.memref_slice %arg14[%dma_wait3A_96, %dma_wait3A_97] : memref<1152x128xf32, #tpu.memory_space<vmem_shared>> -> memref<1152x128xf32, #tpu.memory_space<vmem_shared>>
    tpu.wait_indirect_dma semaphore(%arg22 : memref<!tpu.dma_semaphore, #tpu.memory_space<semaphore_mem>>) src(%dma_wait3A_92 : memref<128x128xf32, #tpu.memory_space<vmem>>) dst(%dma_wait3A_98 : memref<1152x128xf32, #tpu.memory_space<vmem_shared>>)
    "tpu.region"() ({
      %run_scoped3A = tpu.sem_alloc : memref<!tpu.dma_semaphore, #tpu.memory_space<semaphore_mem>>
      %dma_start3A_104 = arith.constant 0 : i32
      %dma_start3A_105 = tpu.memref_slice %arg8[%add3A, %dma_start3A_104] : memref<32x1152xf32, #tpu.memory_space<hbm>> -> memref<1x1152xf32, #tpu.memory_space<hbm>>
      %dma_start3A_106 = tpu.memref_squeeze %dma_start3A_105 : memref<1x1152xf32, #tpu.memory_space<hbm>> -> memref<1152xf32, #tpu.memory_space<hbm>>
      %dma_start3A_107 = arith.constant 0 : i32
      %dma_start3A_108 = tpu.memref_slice %arg8[%add3A, %dma_start3A_107] : memref<32x1152xf32, #tpu.memory_space<hbm>> -> memref<1x1152xf32, #tpu.memory_space<hbm>>
      %dma_start3A_109 = tpu.memref_squeeze %dma_start3A_108 : memref<1x1152xf32, #tpu.memory_space<hbm>> -> memref<1152xf32, #tpu.memory_space<hbm>>
      tpu.enqueue_dma source(%arg12 : memref<1152xf32, #tpu.memory_space<vmem>>) target(%dma_start3A_109 : memref<1152xf32, #tpu.memory_space<hbm>>) target_semaphore(%run_scoped3A : memref<!tpu.dma_semaphore, #tpu.memory_space<semaphore_mem>>)
      %dma_wait3A_110 = arith.constant 0 : i32
      %dma_wait3A_111 = tpu.memref_slice %arg8[%add3A, %dma_wait3A_110] : memref<32x1152xf32, #tpu.memory_space<hbm>> -> memref<1x1152xf32, #tpu.memory_space<hbm>>
      %dma_wait3A_112 = tpu.memref_squeeze %dma_wait3A_111 : memref<1x1152xf32, #tpu.memory_space<hbm>> -> memref<1152xf32, #tpu.memory_space<hbm>>
      %dma_wait3A_113 = arith.constant 0 : i32
      %dma_wait3A_114 = tpu.memref_slice %arg8[%add3A, %dma_wait3A_113] : memref<32x1152xf32, #tpu.memory_space<hbm>> -> memref<1x1152xf32, #tpu.memory_space<hbm>>
      %dma_wait3A_115 = tpu.memref_squeeze %dma_wait3A_114 : memref<1x1152xf32, #tpu.memory_space<hbm>> -> memref<1152xf32, #tpu.memory_space<hbm>>
      tpu.wait_dma2 semaphore(%run_scoped3A : memref<!tpu.dma_semaphore, #tpu.memory_space<semaphore_mem>>) src(%arg12 : memref<1152xf32, #tpu.memory_space<vmem>>) dst(%dma_wait3A_115 : memref<1152xf32, #tpu.memory_space<hbm>>)
      tpu.yield
    }) : () -> ()
    %barrier3A_99 = arith.constant 0 : index
    tpu.barrier barrier_id(%barrier3A_99)
    %mul3A_100 = arith.constant 72 : i32
    %mul3A_101 = arith.muli %arg1, %mul3A_100 : i32
    %mul3A_102 = arith.constant 72 : i32
    %mul3A_103 = arith.muli %arg1, %mul3A_102 : i32
    "tpu.region"() ({
      %run_scoped3A = tpu.sem_alloc : memref<!tpu.dma_semaphore, #tpu.memory_space<semaphore_mem>>
      %dma_start3A_104 = arith.constant 0 : i32
      %dma_start3A_105 = tpu.memref_slice %arg7[%arg0, %mul3A_103, %dma_start3A_104] : memref<2x1152x128xf32, #tpu.memory_space<hbm>> -> memref<1x72x128xf32, #tpu.memory_space<hbm>>
      %dma_start3A_106 = tpu.memref_squeeze %dma_start3A_105 : memref<1x72x128xf32, #tpu.memory_space<hbm>> -> memref<72x128xf32, #tpu.memory_space<hbm>>
      %dma_start3A_107 = arith.constant 0 : i32
      %dma_start3A_108 = tpu.memref_slice %arg14[%mul3A_101, %dma_start3A_107] : memref<1152x128xf32, #tpu.memory_space<vmem_shared>> -> memref<72x128xf32, #tpu.memory_space<vmem_shared>>
      tpu.enqueue_dma source(%dma_start3A_108 : memref<72x128xf32, #tpu.memory_space<vmem_shared>>) target(%dma_start3A_106 : memref<72x128xf32, #tpu.memory_space<hbm>>) target_semaphore(%run_scoped3A : memref<!tpu.dma_semaphore, #tpu.memory_space<semaphore_mem>>)
      %dma_wait3A_109 = arith.constant 0 : i32
      %dma_wait3A_110 = tpu.memref_slice %arg7[%arg0, %mul3A_103, %dma_wait3A_109] : memref<2x1152x128xf32, #tpu.memory_space<hbm>> -> memref<1x72x128xf32, #tpu.memory_space<hbm>>
      %dma_wait3A_111 = tpu.memref_squeeze %dma_wait3A_110 : memref<1x72x128xf32, #tpu.memory_space<hbm>> -> memref<72x128xf32, #tpu.memory_space<hbm>>
      %dma_wait3A_112 = arith.constant 0 : i32
      %dma_wait3A_113 = tpu.memref_slice %arg14[%mul3A_101, %dma_wait3A_112] : memref<1152x128xf32, #tpu.memory_space<vmem_shared>> -> memref<72x128xf32, #tpu.memory_space<vmem_shared>>
      tpu.wait_dma2 semaphore(%run_scoped3A : memref<!tpu.dma_semaphore, #tpu.memory_space<semaphore_mem>>) src(%dma_wait3A_113 : memref<72x128xf32, #tpu.memory_space<vmem_shared>>) dst(%dma_wait3A_111 : memref<72x128xf32, #tpu.memory_space<hbm>>)
      tpu.yield
    }) : () -> ()
    return
  }
}

module attributes {stable_mosaic.version = 14 : i64} {
  func.func @body(%arg0: memref<2x4224x128xf32, #tpu.memory_space<vmem>>, %arg1: memref<4096x32xf32, #tpu.memory_space<vmem>>, %arg2: memref<4096x128xf32, #tpu.memory_space<vmem>>, %arg3: memref<128x128xf32, #tpu.memory_space<vmem>>, %arg4: memref<1x128xf32, #tpu.memory_space<vmem>>, %arg5: memref<128x128xf32, #tpu.memory_space<vmem>>, %arg6: memref<4096x128xf32, #tpu.memory_space<vmem>>) attributes {dimension_semantics = [], scalar_prefetch = 0 : i64, scratch_operands = 0 : i64, tpu.core_type = #tpu.core_type<tc>} {
    %get3A = arith.constant 0 : index
    %get3A_0 = arith.constant 0 : index
    %get3A_1 = arith.constant 0 : index
    %get3A_2 = vector.load %arg0[%get3A, %get3A_0, %get3A_1] : memref<2x4224x128xf32, #tpu.memory_space<vmem>>, vector<1x4096x128xf32>
    %get3A_3 = vector.shape_cast %get3A_2 : vector<1x4096x128xf32> to vector<4096x128xf32>
    %get3A_4 = arith.constant 1 : index
    %get3A_5 = arith.constant 0 : index
    %get3A_6 = arith.constant 0 : index
    %get3A_7 = vector.load %arg0[%get3A_4, %get3A_5, %get3A_6] : memref<2x4224x128xf32, #tpu.memory_space<vmem>>, vector<1x4096x128xf32>
    %get3A_8 = vector.shape_cast %get3A_7 : vector<1x4096x128xf32> to vector<4096x128xf32>
    %add3A = arith.addf %get3A_3, %get3A_8 : vector<4096x128xf32>
    %get3A_9 = arith.constant 0 : index
    %get3A_10 = arith.constant 0 : index
    %get3A_11 = vector.load %arg1[%get3A_9, %get3A_10] : memref<4096x32xf32, #tpu.memory_space<vmem>>, vector<4096x32xf32>
    %reduce_sum3A = arith.constant dense<0.000000e+00> : vector<4096xf32>
    %reduce_sum3A_12 = vector.multi_reduction <add>, %get3A_11, %reduce_sum3A [1] : vector<4096x32xf32> to vector<4096xf32>
    %broadcast_in_dim3A = vector.shape_cast %reduce_sum3A_12 : vector<4096xf32> to vector<4096x1xf32>
    %max3A = arith.constant 1.000000e+00 : f32
    %max3A_13 = vector.broadcast %max3A : f32 to vector<4096x1xf32>
    %max3A_14 = arith.maximumf %broadcast_in_dim3A, %max3A_13 : vector<4096x1xf32>
    %div3A = vector.broadcast %max3A_14 : vector<4096x1xf32> to vector<4096x128xf32>
    %div3A_15 = arith.divf %add3A, %div3A : vector<4096x128xf32>
    %get3A_16 = arith.constant 0 : index
    %get3A_17 = arith.constant 0 : index
    %get3A_18 = vector.load %arg3[%get3A_16, %get3A_17] : memref<128x128xf32, #tpu.memory_space<vmem>>, vector<128x128xf32>
    %dot_general3A = arith.constant dense<0.000000e+00> : vector<4096x128xf32>
    %dot_general3A_19 = tpu.matmul %div3A_15, %get3A_18, %dot_general3A {dimension_numbers = #tpu.dot_dimension_numbers<[1], [1], [0], [0], [0, 0, 1, 0], [], []>, transpose_lhs_hint = false} : vector<4096x128xf32>, vector<128x128xf32>, vector<4096x128xf32> -> vector<4096x128xf32>
    %get3A_20 = arith.constant 0 : index
    %get3A_21 = arith.constant 0 : index
    %get3A_22 = vector.load %arg4[%get3A_20, %get3A_21] : memref<1x128xf32, #tpu.memory_space<vmem>>, vector<1x128xf32>
    %add3A_23 = vector.broadcast %get3A_22 : vector<1x128xf32> to vector<4096x128xf32>
    %add3A_24 = arith.addf %dot_general3A_19, %add3A_23 : vector<4096x128xf32>
    %get3A_25 = arith.constant 0 : index
    %get3A_26 = arith.constant 0 : index
    %get3A_27 = vector.load %arg2[%get3A_25, %get3A_26] : memref<4096x128xf32, #tpu.memory_space<vmem>>, vector<4096x128xf32>
    %get3A_28 = arith.constant 0 : index
    %get3A_29 = arith.constant 0 : index
    %get3A_30 = vector.load %arg5[%get3A_28, %get3A_29] : memref<128x128xf32, #tpu.memory_space<vmem>>, vector<128x128xf32>
    %dot_general3A_31 = arith.constant dense<0.000000e+00> : vector<4096x128xf32>
    %dot_general3A_32 = tpu.matmul %get3A_27, %get3A_30, %dot_general3A_31 {dimension_numbers = #tpu.dot_dimension_numbers<[1], [1], [0], [0], [0, 0, 1, 0], [], []>, transpose_lhs_hint = false} : vector<4096x128xf32>, vector<128x128xf32>, vector<4096x128xf32> -> vector<4096x128xf32>
    %add3A_33 = arith.addf %add3A_24, %dot_general3A_32 : vector<4096x128xf32>
    %ge3A = arith.constant 0.000000e+00 : f32
    %ge3A_34 = vector.broadcast %ge3A : f32 to vector<4096x128xf32>
    %ge3A_35 = arith.cmpf oge, %add3A_33, %ge3A_34 : vector<4096x128xf32>
    %mul3A = arith.constant 0.00999999977 : f32
    %mul3A_36 = vector.broadcast %mul3A : f32 to vector<4096x128xf32>
    %mul3A_37 = arith.mulf %mul3A_36, %add3A_33 : vector<4096x128xf32>
    %select_n3A = arith.select %ge3A_35, %add3A_33, %mul3A_37 : vector<4096x128xi1>, vector<4096x128xf32>
    %swap3A = arith.constant 0 : index
    %swap3A_38 = arith.constant 0 : index
    %swap3A_39 = vector.load %arg6[%swap3A, %swap3A_38] : memref<4096x128xf32, #tpu.memory_space<vmem>>, vector<4096x128xf32>
    tpu.vector_store %arg6[%swap3A, %swap3A_38], %select_n3A {strides = array<i32>} : memref<4096x128xf32, #tpu.memory_space<vmem>>, vector<4096x128xf32>,
    return
  }
}

module attributes {stable_mosaic.version = 14 : i64} {
  func.func @body(%arg0: memref<2x1152x128xf32, #tpu.memory_space<vmem>>, %arg1: memref<1024x32xf32, #tpu.memory_space<vmem>>, %arg2: memref<1024x128xf32, #tpu.memory_space<vmem>>, %arg3: memref<128x128xf32, #tpu.memory_space<vmem>>, %arg4: memref<1x128xf32, #tpu.memory_space<vmem>>, %arg5: memref<128x128xf32, #tpu.memory_space<vmem>>, %arg6: memref<1024x128xf32, #tpu.memory_space<vmem>>) attributes {dimension_semantics = [], scalar_prefetch = 0 : i64, scratch_operands = 0 : i64, tpu.core_type = #tpu.core_type<tc>} {
    %get3A = arith.constant 0 : index
    %get3A_0 = arith.constant 0 : index
    %get3A_1 = arith.constant 0 : index
    %get3A_2 = vector.load %arg0[%get3A, %get3A_0, %get3A_1] : memref<2x1152x128xf32, #tpu.memory_space<vmem>>, vector<1x1024x128xf32>
    %get3A_3 = vector.shape_cast %get3A_2 : vector<1x1024x128xf32> to vector<1024x128xf32>
    %get3A_4 = arith.constant 1 : index
    %get3A_5 = arith.constant 0 : index
    %get3A_6 = arith.constant 0 : index
    %get3A_7 = vector.load %arg0[%get3A_4, %get3A_5, %get3A_6] : memref<2x1152x128xf32, #tpu.memory_space<vmem>>, vector<1x1024x128xf32>
    %get3A_8 = vector.shape_cast %get3A_7 : vector<1x1024x128xf32> to vector<1024x128xf32>
    %add3A = arith.addf %get3A_3, %get3A_8 : vector<1024x128xf32>
    %get3A_9 = arith.constant 0 : index
    %get3A_10 = arith.constant 0 : index
    %get3A_11 = vector.load %arg1[%get3A_9, %get3A_10] : memref<1024x32xf32, #tpu.memory_space<vmem>>, vector<1024x32xf32>
    %reduce_sum3A = arith.constant dense<0.000000e+00> : vector<1024xf32>
    %reduce_sum3A_12 = vector.multi_reduction <add>, %get3A_11, %reduce_sum3A [1] : vector<1024x32xf32> to vector<1024xf32>
    %broadcast_in_dim3A = vector.shape_cast %reduce_sum3A_12 : vector<1024xf32> to vector<1024x1xf32>
    %max3A = arith.constant 1.000000e+00 : f32
    %max3A_13 = vector.broadcast %max3A : f32 to vector<1024x1xf32>
    %max3A_14 = arith.maximumf %broadcast_in_dim3A, %max3A_13 : vector<1024x1xf32>
    %div3A = vector.broadcast %max3A_14 : vector<1024x1xf32> to vector<1024x128xf32>
    %div3A_15 = arith.divf %add3A, %div3A : vector<1024x128xf32>
    %get3A_16 = arith.constant 0 : index
    %get3A_17 = arith.constant 0 : index
    %get3A_18 = vector.load %arg3[%get3A_16, %get3A_17] : memref<128x128xf32, #tpu.memory_space<vmem>>, vector<128x128xf32>
    %dot_general3A = arith.constant dense<0.000000e+00> : vector<1024x128xf32>
    %dot_general3A_19 = tpu.matmul %div3A_15, %get3A_18, %dot_general3A {dimension_numbers = #tpu.dot_dimension_numbers<[1], [1], [0], [0], [0, 0, 1, 0], [], []>, transpose_lhs_hint = false} : vector<1024x128xf32>, vector<128x128xf32>, vector<1024x128xf32> -> vector<1024x128xf32>
    %get3A_20 = arith.constant 0 : index
    %get3A_21 = arith.constant 0 : index
    %get3A_22 = vector.load %arg4[%get3A_20, %get3A_21] : memref<1x128xf32, #tpu.memory_space<vmem>>, vector<1x128xf32>
    %add3A_23 = vector.broadcast %get3A_22 : vector<1x128xf32> to vector<1024x128xf32>
    %add3A_24 = arith.addf %dot_general3A_19, %add3A_23 : vector<1024x128xf32>
    %get3A_25 = arith.constant 0 : index
    %get3A_26 = arith.constant 0 : index
    %get3A_27 = vector.load %arg2[%get3A_25, %get3A_26] : memref<1024x128xf32, #tpu.memory_space<vmem>>, vector<1024x128xf32>
    %get3A_28 = arith.constant 0 : index
    %get3A_29 = arith.constant 0 : index
    %get3A_30 = vector.load %arg5[%get3A_28, %get3A_29] : memref<128x128xf32, #tpu.memory_space<vmem>>, vector<128x128xf32>
    %dot_general3A_31 = arith.constant dense<0.000000e+00> : vector<1024x128xf32>
    %dot_general3A_32 = tpu.matmul %get3A_27, %get3A_30, %dot_general3A_31 {dimension_numbers = #tpu.dot_dimension_numbers<[1], [1], [0], [0], [0, 0, 1, 0], [], []>, transpose_lhs_hint = false} : vector<1024x128xf32>, vector<128x128xf32>, vector<1024x128xf32> -> vector<1024x128xf32>
    %add3A_33 = arith.addf %add3A_24, %dot_general3A_32 : vector<1024x128xf32>
    %swap3A = arith.constant 0 : index
    %swap3A_34 = arith.constant 0 : index
    %swap3A_35 = vector.load %arg6[%swap3A, %swap3A_34] : memref<1024x128xf32, #tpu.memory_space<vmem>>, vector<1024x128xf32>
    tpu.vector_store %arg6[%swap3A, %swap3A_34], %add3A_33 {strides = array<i32>} : memref<1024x128xf32, #tpu.memory_space<vmem>>, vector<1024x128xf32>,
    return
  }
}

</mosaic_0001>

<sc_bundles>
// kernel: kernel.6.cloned.1.call-start
scs
__scs_entry_jumppad:
0x0: {  	(pc) =	sbr.rel $0x88, $3  }
0x1: {  	(tag) =	ssettag $0x0;
	lr =	simm.s32 $0x1  }
0x2: {  	[smem:$0x3F98] =	sst lr;
	_ =	strace $0xD0000000  }
0x3: {  	_ = 	snop  }
0x4: {  	_ = 	snop  }
0x5: {  	_ = 	snop  }
0x6: {  	_ = 	snop  }
0x7: {  	_ = 	snop  }
__scs_overlays_trampoline_lowered:
0x8: {  	[smem:$0x3FA7] =	sst s0  }
0x9: {  	[smem:$0x3FA8] =	sst s1  }
0xa: {  	[smem:$0x3FA9] =	sst s2  }
0xb: {  	[smem:$0x3FAA] =	sst s3  }
0xc: {  	[smem:$0x3FAB] =	sst s4  }
0xd: {  	[smem:$0x3FAC] =	sst s5  }
0xe: {  	[smem:$0x3FAD] =	sst s6  }
0xf: {  	[smem:$0x3FAE] =	sst s7  }
0x10: {  	[smem:$0x3FAF] =	sst s8  }
0x11: {  	[smem:$0x3FB0] =	sst s9;
	s0 =	simm.s32 @!p0 $0x0  }
0x12: {  	s1 =	sld [smem:$0x3F96];
	s0 =	simm.s32 @p0 $0x1  }
0x13: {  	[smem:$0x3FB1] =	sst s0;
	s0 =	simm.s32 @!p1 $0x0  }
0x14: {  	s2 =	sld [smem:$0x3F95];
	s0 =	simm.s32 @p1 $0x1  }
0x15: {  	[smem:$0x3FB2] =	sst s0;
	s0 =	simm.s32 @!p2 $0x0  }
0x16: {  	s3 =	sld [smem:$0x3FDB];
	s0 =	simm.s32 @p2 $0x1  }
0x17: {  	s4 =	simm.s32 $0x1BF5;
	[smem:$0x3FB4] =	sst s0  }
0x18: {  	s0 =	sld [smem:$0x3F97];
	_ =	swait.ge [sflag:s4], $0x0  }
0x19: {  	s7 =	sld [smem:$0x3F98]  }
0x1a: {  	s8 =	sadd.s32 $0xFFFFE003, lr  }
0x1b: {  	s9 =	sadd.s32 $0xFFFFFEF7, lr;
	s5 =	simm.s32 $0xFFFFFFFF;
	p2 =	slt.u32 s8, $0xFFFFF086  }
0x1c: {  	p1 =	slt.u32 s9, $0xF7A;
	s5 =	simm.s32 @!p2 $0x0  }
0x1d: {  	s5 =	simm.s32 @p1 $0x1;
	p0 =	seq.s32 s7, s2  }
0x1e: {  	s7 =	smul.u32 @!p0 $0xF7A, s2;
	p2 =	seq.s32 @!p0 s5, $0x0  }
0x1f: {  	s9 =	smul.u32 $0xF7A, s1;
	s8 =	simm.s32 @!p0 $0x1BF5;
	p2 =	por !p2, p0  }
0x20: {  	[sflag:s8] =	ssyncset.s32 @!p0 $0xFFFFF086;
	s6 =	sadd.s32 @!p0 s3, s7;
	s7 =	simm.s32 @!p0 $0x108  }
0x21: {  	s3 =	sadd.s32 s3, s9;
	s6 =	sadd.s32 @!p0 $0x88, s6;
	s7 =	simm.s32 @p2 $0x1082  }
0x22: {  	[simem:s7], [sflag:s8] =	dma.local @!p0 [hbm:s6], $0xF7A  }
0x23: {  	s9 =	sor.u32 $0xD0000000, s2;
	s6 =	simm.s32 $0x108;
	_ =	swait.ge @!p0 [sflag:s8], $0x0  }
0x24: {  	s3 =	sadd.s32 $0x88, s3;
	s6 =	simm.s32 @!p1 $0x1082;
	[sflag:s4] =	ssyncset.s32 $0xFFFFF086  }
0x25: {  	[simem:s6], [sflag:s4] =	dma.local [hbm:s3], $0xF7A  }
0x26: {  	[smem:$0x3F98] =	sst s1;
	(tag) =	ssettag s2;
	_ =	strace s9  }
0x27: {  	s1 =	sld [smem:$0x3FA8]  }
0x28: {  	s2 =	sld [smem:$0x3FA9]  }
0x29: {  	s4 =	sld [smem:$0x3FAB]  }
0x2a: {  	p0 =	seq.s32 s5, $0x0;
	s5 =	sld [smem:$0x3FAC]  }
0x2b: {  	s6 =	sld [smem:$0x3FAD]  }
0x2c: {  	s7 =	sld [smem:$0x3FAE]  }
0x2d: {  	s3 =	simm.s32 $0x108;
	s8 =	sld [smem:$0x3FAF]  }
0x2e: {  	s3 =	simm.s32 @!p0 $0x1082;
	s9 =	sld [smem:$0x3FB0]  }
0x2f: {  	lr =	sadd.s32 s0, s3;
	s0 =	sld [smem:$0x3FA7]  }
0x30: {  	s3 =	sld [smem:$0x3FAA]  }
0x31: {  	[smem:$0x3FB3] =	sst s10  }
0x32: {  	s10 =	sld [smem:$0x3FB1];
	_ =	sdelay $0x3  }
0x33: {  	p0 =	seq.s32 s10, $0x1;
	s10 =	sld [smem:$0x3FB3];
	_ =	sdelay $0x3  }
0x34: {  	[smem:$0x3FB3] =	sst s10  }
0x35: {  	s10 =	sld [smem:$0x3FB2];
	_ =	sdelay $0x3  }
0x36: {  	p1 =	seq.s32 s10, $0x1;
	s10 =	sld [smem:$0x3FB3];
	_ =	sdelay $0x3  }
0x37: {  	[smem:$0x3FB3] =	sst s10  }
0x38: {  	s10 =	sld [smem:$0x3FB4]  }
0x39: {  	_ = 	snop;
	(pc) =	sbr.ind lr, $3  }
0x3a: {  	_ = 	snop  }
0x3b: {  	_ = 	snop  }
0x3c: {  	p2 =	seq.s32 s10, $0x1;
	s10 =	sld [smem:$0x3FB3]  }
0x3d: {  	_ =	shalt  }
0x3e: {  	_ =	shalt  }
0x3f: {  	_ =	shalt  }
0x40: {  	_ =	shalt  }
0x41: {  	_ =	shalt  }
0x42: {  	_ =	shalt  }
0x43: {  	_ =	shalt  }
0x44: {  	_ =	shalt  }
0x45: {  	_ =	shalt  }
0x46: {  	_ =	shalt  }
0x47: {  	_ =	shalt  }
0x48: {  	_ =	shalt  }
0x49: {  	_ =	shalt  }
0x4a: {  	_ =	shalt  }
0x4b: {  	_ =	shalt  }
0x4c: {  	_ =	shalt  }
0x4d: {  	_ =	shalt  }
0x4e: {  	_ =	shalt  }
0x4f: {  	_ =	shalt  }
0x50: {  	_ =	shalt  }
0x51: {  	_ =	shalt  }
0x52: {  	_ =	shalt  }
0x53: {  	_ =	shalt  }
0x54: {  	_ =	shalt  }
0x55: {  	_ =	shalt  }
0x56: {  	_ =	shalt  }
0x57: {  	_ =	shalt  }
0x58: {  	_ =	shalt  }
0x59: {  	_ =	shalt  }
0x5a: {  	_ =	shalt  }
0x5b: {  	_ =	shalt  }
0x5c: {  	_ =	shalt  }
0x5d: {  	_ =	shalt  }
0x5e: {  	_ =	shalt  }
0x5f: {  	_ =	shalt  }
0x60: {  	_ =	shalt  }
0x61: {  	_ =	shalt  }
0x62: {  	_ =	shalt  }
0x63: {  	_ =	shalt  }
0x64: {  	_ =	shalt  }
0x65: {  	_ =	shalt  }
0x66: {  	_ =	shalt  }
0x67: {  	_ =	shalt  }
0x68: {  	_ =	shalt  }
0x69: {  	_ =	shalt  }
0x6a: {  	_ =	shalt  }
0x6b: {  	_ =	shalt  }
0x6c: {  	_ =	shalt  }
0x6d: {  	_ =	shalt  }
0x6e: {  	_ =	shalt  }
0x6f: {  	_ =	shalt  }
0x70: {  	_ =	shalt  }
0x71: {  	_ =	shalt  }
0x72: {  	_ =	shalt  }
0x73: {  	_ =	shalt  }
0x74: {  	_ =	shalt  }
0x75: {  	_ =	shalt  }
0x76: {  	_ =	shalt  }
0x77: {  	_ =	shalt  }
0x78: {  	_ =	shalt  }
0x79: {  	_ =	shalt  }
0x7a: {  	_ =	shalt  }
0x7b: {  	_ =	shalt  }
0x7c: {  	_ =	shalt  }
0x7d: {  	_ =	shalt  }
0x7e: {  	_ =	shalt  }
0x7f: {  	_ =	shalt  }
0x80: {  	_ =	shalt  }
0x81: {  	_ =	shalt  }
0x82: {  	_ =	shalt  }
0x83: {  	_ =	shalt  }
0x84: {  	_ =	shalt  }
0x85: {  	_ =	shalt  }
0x86: {  	_ =	shalt  }
0x87: {  	_ =	shalt  }
.Lfunc_end0:
.L_simem_size_0:
called_computation_lowered:
.L_overlay_start_0:
0x88: {  	s2 =	sld [smem:$0x3FD9]  }
0x89: {  	s3 =	sld [smem:$0x3FFE];
	_ =	sdelay $0x1  }
0x8a: {  	s1 =	srdreg.scid  }
0x8b: {  	s0 =	sand.u32 $0x1, s1  }
0x8c: {  	s17 =	sshll.u32 s0, $0xA;
	s2 =	sadd.s32 s3, s2  }
0x8d: {  	s2 =	sadd.s32 s2, s17  }
0x8e: {  	[smem:$0x3FBF] =	sst s2  }
0x8f: {  	_ = 	snop  }
0x90: {  	s2 =	sld [smem:$0x3FC9];
	(tm) =	ssettm $0x1  }
0x91: {  	s18 =	sld [smem:$0x3FFB];
	_ =	sdelay $0x3  }
0x92: {  	_ =	strace s18  }
0x93: {  	s3 =	sld [smem:$0x3FFC];
	_ =	sdelay $0x3  }
0x94: {  	_ =	strace s3  }
0x95: {  	s3 =	sld [smem:$0x3FFD];
	_ =	sdelay $0x3  }
0x96: {  	_ =	strace s3  }
0x97: {  	_ =	strace $0x8FFFFFFF  }
0x98: {  	s19 =	sld [smem:$0x3FDB];
	_ =	sdelay $0x1  }
0x99: {  	s4 =	simm.s32 $_scs_section_size  }
0x9a: {  	s5 =	simm.s32 $_size__tile_overlayer_lowered;
	s6 =	simm.s32 $_tile_overlayer_lowered  }
0x9b: {  	s22 =	simm.s32 $0x1BFF;
	s21 =	sshll.u32 s6, $0x1;
	s3 =	sadd.s32 s4, s19  }
0x9c: {  	s7 =	simm.s32 $0x0;
	s20 =	sshll.u32 s5, $0x1;
	s5 =	sadd.s32 s21, s3  }
0x9d: {  	[timem:s7], [sflag:s22] =	dma.local [hbm:s5], s20  }
0x9e: {  	_ =	swait.ge [sflag:s22], s20  }
0x9f: {  	s4 =	ssub.s32 $0x0, s20;
	[sflag:s22] =	ssyncset.done $0x0  }
0xa0: {  	[sflag:s22] =	ssyncadd.s32 s4;
	_ =	sdelay $0x1  }
0xa1: {  	s23 =	simm.s32 $0x1B8B  }
0xa2: {  	_ =	swait.ge [sflag:s23], $0x1  }
0xa3: {  	[sflag:s23] =	ssyncset.done $0x0  }
0xa4: {  	s25 =	simm.s32 $0x1B8E;
	s24 =	sld [smem:$0x3FFE];
	[sflag:s23] =	ssyncadd.s32 $0xFFFFFFFF  }
0xa5: {  	s26 =	simm.s32 $execute0_lowered;
	[smem:$0x3FD2] =	sst s25  }
0xa6: {  	s5 =	sshll.u32 s26, $0x1;
	_ =	strace $0x80000046;
	[dreg:$0x1] =	wrdreg $0xFFFFFFFF  }
0xa7: {  	s28 =	simm.s32 $_size_execute0_lowered;
	s3 =	sadd.s32 s3, s5;
	[dreg:$0x0] =	wrdreg $0x0  }
0xa8: {  	s5 =	sshll.u32 s28, $0x1;
	[dreg:$0x2] =	wrdreg s3  }
0xa9: {  	[dreg:$0x3] =	wrdreg s5  }
0xaa: {  	[dreg:$0x4] =	wrdreg $0xC0  }
0xab: {  	_ =	task [dreg:s7], $0x5FFFF  }
0xac: {  	[dreg:$0x1] =	wrdreg $0xFFFFFFFF  }
0xad: {  	[dreg:$0x0] =	wrdreg $0x60  }
0xae: {  	[dreg:$0x2] =	wrdreg s2  }
0xaf: {  	[dreg:$0x3] =	wrdreg s24  }
0xb0: {  	[dreg:$0x4] =	wrdreg $0xE0800  }
0xb1: {  	[dreg:$0x5] =	wrdreg $0x160800  }
0xb2: {  	[dreg:$0x6] =	wrdreg $0x9  }
0xb3: {  	_ =	task.clear_ibuf [dreg:s7], $0x7FFFF;
	_ =	strace $0x90000046  }
0xb4: {  	s29 =	simm.s32 $0x9;
	_ =	strace $0x80000048  }
0xb5: {  	_ =	swait.ge [sflag:s29], $0x1  }
0xb6: {  	[sflag:s29] =	ssyncadd.s32 $0xFFFFFFFF  }
0xb7: {  	_ =	strace $0x90000048  }
0xb8: {  	_ =	sfence  }
0xb9: {  	s30 =	sld [smem:$0x0];
	_ =	sdelay $0x2  }
0xba: {  	s31 =	sshll.u32 s1, $0xD;
	s1 =	sshrl.u32 s1, $0x2  }
0xbb: {  	s3 =	sand.u32 $0x4000, s31;
	s1 =	sadd.s32 s1, s30  }
0xbc: {  	s0 =	sor.u32 s3, s0;
	s1 =	sshll.u32 s1, $0x11  }
0xbd: {  	s0 =	sor.u32 s1, s0  }
0xbe: {  	s0 =	sadd.s32 $0x8F2B, s0  }
0xbf: {  	[sflag:s0] =	ssyncadd.remote.s32 $0x1  }
0xc0: {  	_ =	sfence.sel $0xFFFF  }
0xc1: {  	[dreg:$0x0] =	wrdreg $0xFFFFFFFF;
	(pc) =	sbr.abs _section_cstart, $3  }
0xc2: {  	[dreg:$0x1] =	wrdreg $0xFFFFFFFF  }
0xc3: {  	_ =	task.clear_ibuf [dreg:s7], $0x2FFFF;
	_ =	strace $0x9FFFFFFF  }
0xc4: {  	(tm) =	ssettm $0x7FFFFFFF  }
0xc5: {  	_ =	shalt  }
tec
execute0_lowered:
.L_overlay_start_1:
0x0: {  	(tag) =	ssettag $0x1  }
0x1: {  	s1 =	rddreg [dreg:$0x0]  }
0x2: {  	s6 =	rddreg [dreg:$0x1]  }
0x3: {  	s3 =	srdreg.scid;
	s0 =	stileid.u32  }
0x4: {  	s2 =	rddreg [dreg:$0x2];
	s17 =	simm.s32 $0xD000;
	s28 =	simm.s32 $0x4  }
0x5: {  	s29 =	simm.s32 $0x400;
	s30 =	simm.s32 $0x0;
	s7 =	sand.u32 $0x1, s3  }
0x6: {  	s4 =	sshll.u32 s0, $0x1;
	s3 =	rddreg [dreg:$0x3];
	s9 =	smul.u32 $0x8400, s0  }
0x7: {  	s12 =	sshrl.u32 s0, $0x2;
	s20 =	smul.u32 $0x21000, s0;
	s25 =	sshll.u32 s0, $0x6  }
0x8: {  	s26 =	sshll.u32 s0, $0xF;
	s31 =	sshll.u32 s0, $0xC;
	s11 =	smul.u32 $0x84000, s7  }
0x9: {  	s5 =	sor.u32 s7, s4;
	s4 =	simm.s32 $0x0;
	s12 =	smul.u32 $0x8400, s12  }
0xa: {  	s7 =	ssub.s32 $0x2, s7;
	s16 =	sadd.s32 s26, s2;
	s26 =	simm.s32 $0x100  }
0xb: {  	s8 =	smul.u32 $0x500, s5;
	[smem:$0x7FF] =	sst s4;
	s18 =	sshrl.u32 s9, $0x3  }
0xc: {  	s13 =	sshll.u32 s5, $0x7;
	s5 =	sadd.s32 $0x26800, s6;
	s23 =	sshrl.u32 s7, $0x1  }
0xd: {  	s24 =	sshrl.u32 s20, $0x2;
	s16 =	sshrl.u32 s16, $0x3;
	s20 =	simm.s32 $0x5000  }
0xe: {  	_ =	strace $0x80000047;
	s9 =	sadd.s32 s9, s11;
	s19 =	sand.u32 $0x380, s13  }
0xf: {  	s14 =	ssub.s32 s7, s23;
	s15 =	sadd.s32 s24, s3;
	s7 =	sor.u32 $0x1C05, s25  }
0x10: {  	s23 =	simm.s32 $0x2;
	s24 =	simm.s32 $0x2880;
	s25 =	simm.s32 $0x3  }
0x11: {  	s10 =	sadd.s32 s8, s6;
	s8 =	sadd.s32 s18, s6;
	s9 =	sshrl.u32 s9, $0x3  }
0x12: {  	s11 =	sor.u32 s12, s19;
	s13 =	smax.u32 s14, $0x1;
	s14 =	sshrl.u32 s15, $0x3  }
.Ltmp0:
0x13: {  	s15 =	simm.s32 $0x5;
	s18 =	simm.s32 $0x2800;
	(pc) =	sbr.rel .LBB2_1-.Ltmp0, $4  }
0x14: {  	s19 =	simm.s32 $0x80;
	s21 =	sadd.s32 s9, s6;
	s22 =	sshrl.u32 s11, $0x3  }
0x15: {  	s9 =	sadd.s32 $0xC000, s10;
	s10 =	sadd.s32 $0x2000, s10;
	s11 =	sadd.s32 s22, s6  }
0x16: {  	s6 =	sadd.s32 $0x16000, s8;
	s8 =	sadd.s32 s1, s31;
	s12 =	sadd.s32 $0x2AE00, s21  }
0x17: {  	v0 =	vimm.f32 $1.000000000e+00;
	s21 =	simm.s32 $0x1;
	s22 =	simm.s32 $0x9000;
	s11 =	sadd.s32 $0x26C00, s11  }
.LBB2_4:
0x18: {  	_ =	swait.ge [sflag:s28], $0x4000  }
0x19: {  	[sflag:s28] =	ssyncset.done $0x0  }
0x1a: {  	[sflag:s28] =	ssyncadd.s32 $0xFFFFC000  }
0x1b: {  	[hbm4b:s11+s19] =	stream.strided.scatter [tilespmem:s17], [sflag:$0x5], $0x1080, s29, s19, $0x38;
	[tilespmem:$0x1E480] =	vst v63  }
0x1c: {  	_ =	swait.ge [sflag:s15], $0x1080  }
0x1d: {  	s30 =	sadd.s32 $0x1, s30;
	[sflag:s15] =	ssyncset.done $0x0  }
0x1e: {  	p0 =	sne.s32 s30, s13;
	[sflag:s15] =	ssyncadd.s32 $0xFFFFEF80  }
.Ltmp1:
0x1f: {  	[bflag:$0x0] =	sbarrier.arrive $0xFFFF;
	(pc) =	sbr.rel @!p0 .LBB2_5-.Ltmp1, $4  }
0x20: {  	[hbm:s12], [sflag:s7] =	dma.local [spmem:s14], $0x1080  }
0x21: {  	_ =	swait.ge [sflag:s15], $0x1080  }
0x22: {  	[sflag:s15] =	ssyncset.done $0x0  }
0x23: {  	[sflag:s15] =	ssyncadd.s32 $0xFFFFEF80  }
.LBB2_1:
0x24: {  	[spmem:s14], [sflag:s7] =	dma.local [hbm:s6], $0x1080  }
0x25: {  	_ =	swait.ge [sflag:s15], $0x1080  }
0x26: {  	[sflag:s15] =	ssyncset.done $0x0  }
0x27: {  	[sflag:s15] =	ssyncadd.s32 $0xFFFFEF80  }
0x28: {  	[spmem:s16], [sflag:s7] =	dma.local [hbm:s8], $0x1000  }
0x29: {  	_ =	swait.ge [sflag:s15], $0x1000  }
0x2a: {  	[sflag:s15] =	ssyncset.done $0x0  }
0x2b: {  	[sflag:s15] =	ssyncadd.s32 $0xFFFFF000  }
0x2c: {  	[tilespmem:s17], [sflag:$0x5] =	stream.linear.gather [hbm4b:s5+s4], $0x1080, $0x38;
	[tilespmem:$0x1E480] =	vst v63  }
0x2d: {  	_ =	swait.ge [sflag:s15], $0x1080  }
0x2e: {  	[sflag:s15] =	ssyncset.done $0x0  }
0x2f: {  	[sflag:s15] =	ssyncadd.s32 $0xFFFFEF80  }
0x30: {  	[tilespmem:s4], [sflag:$0x5] =	stream.linear.gather [hbm4b:s9+s4], $0x2800, $0x38;
	[tilespmem:$0x1E480] =	vst v63  }
0x31: {  	_ =	swait.ge [sflag:s15], $0x2800  }
0x32: {  	[sflag:s15] =	ssyncset.done $0x0  }
0x33: {  	[sflag:s15] =	ssyncadd.s32 $0xFFFFD800  }
0x34: {  	[tilespmem:s18], [sflag:$0x5] =	stream.linear.gather [hbm4b:s10+s4], $0x2800, $0x38;
	[tilespmem:$0x1E480] =	vst v63  }
0x35: {  	_ =	swait.ge [sflag:s15], $0x2800  }
0x36: {  	[sflag:s15] =	ssyncset.done $0x0  }
0x37: {  	[sflag:s15] =	ssyncadd.s32 $0xFFFFD800  }
0x38: {  	[bflag:$0x0] =	sbarrier.arrive $0xFFFF  }
0x39: {  	[tilespmem:s20], [sflag:$0x1] =	stream.indirect.gather [spmem:s2], $0x80, s4, s19, $0xb8;
	[tilespmem:$0x1E480] =	vst v63  }
0x3a: {  	_ =	swait.ge [sflag:s21], $0x4000  }
0x3b: {  	[sflag:s21] =	ssyncset.done $0x0  }
0x3c: {  	[sflag:s21] =	ssyncadd.s32 $0xFFFFC000  }
0x3d: {  	[spmem:s3] =	stream.indirect.scatter.add.f32 [tilespmem:s20], [sflag:$0x3], $0x80, s18, s19, $0xb8;
	[tilespmem:$0x1E480] =	vst v63  }
0x3e: {  	v1 =	vld [tilespmem:$0x2800];
	_ =	sdelay $0x7  }
0x3f: {  	[tilespmem:v1+s17+$0x0] =	vst.idx.add.f32.msk $0xffff, v0  }
0x40: {  	v1 =	vld [tilespmem:$0x2810];
	_ =	sdelay $0x7  }
0x41: {  	[tilespmem:v1+s17+$0x0] =	vst.idx.add.f32.msk $0xffff, v0  }
0x42: {  	v1 =	vld [tilespmem:$0x2820];
	_ =	sdelay $0x7  }
0x43: {  	[tilespmem:v1+s17+$0x0] =	vst.idx.add.f32.msk $0xffff, v0  }
0x44: {  	v1 =	vld [tilespmem:$0x2830];
	_ =	sdelay $0x7  }
0x45: {  	[tilespmem:v1+s17+$0x0] =	vst.idx.add.f32.msk $0xffff, v0  }
0x46: {  	v1 =	vld [tilespmem:$0x2840];
	_ =	sdelay $0x7  }
0x47: {  	[tilespmem:v1+s17+$0x0] =	vst.idx.add.f32.msk $0xffff, v0  }
0x48: {  	v1 =	vld [tilespmem:$0x2850];
	_ =	sdelay $0x7  }
0x49: {  	[tilespmem:v1+s17+$0x0] =	vst.idx.add.f32.msk $0xffff, v0  }
0x4a: {  	v1 =	vld [tilespmem:$0x2860];
	_ =	sdelay $0x7  }
0x4b: {  	[tilespmem:v1+s17+$0x0] =	vst.idx.add.f32.msk $0xffff, v0  }
0x4c: {  	v1 =	vld [tilespmem:$0x2870];
	_ =	sdelay $0x7  }
0x4d: {  	[tilespmem:v1+s17+$0x0] =	vst.idx.add.f32.msk $0xffff, v0  }
0x4e: {  	[tilespmem:s22], [sflag:$0x2] =	stream.indirect.gather [spmem:s2], $0x80, s19, s19, $0xb8;
	[tilespmem:$0x1E480] =	vst v63  }
0x4f: {  	_ =	swait.ge [sflag:s23], $0x4000  }
0x50: {  	[sflag:s23] =	ssyncset.done $0x0  }
0x51: {  	[sflag:s23] =	ssyncadd.s32 $0xFFFFC000  }
0x52: {  	[spmem:s3] =	stream.indirect.scatter.add.f32 [tilespmem:s22], [sflag:$0x4], $0x80, s24, s19, $0xb8;
	[tilespmem:$0x1E480] =	vst v63  }
0x53: {  	v1 =	vld [tilespmem:$0x2880];
	_ =	sdelay $0x7  }
0x54: {  	[tilespmem:v1+s17+$0x0] =	vst.idx.add.f32.msk $0xffff, v0  }
0x55: {  	v1 =	vld [tilespmem:$0x2890];
	_ =	sdelay $0x7  }
0x56: {  	[tilespmem:v1+s17+$0x0] =	vst.idx.add.f32.msk $0xffff, v0  }
0x57: {  	v1 =	vld [tilespmem:$0x28A0];
	_ =	sdelay $0x7  }
0x58: {  	[tilespmem:v1+s17+$0x0] =	vst.idx.add.f32.msk $0xffff, v0  }
0x59: {  	v1 =	vld [tilespmem:$0x28B0];
	_ =	sdelay $0x7  }
0x5a: {  	[tilespmem:v1+s17+$0x0] =	vst.idx.add.f32.msk $0xffff, v0  }
0x5b: {  	v1 =	vld [tilespmem:$0x28C0];
	_ =	sdelay $0x7  }
0x5c: {  	[tilespmem:v1+s17+$0x0] =	vst.idx.add.f32.msk $0xffff, v0  }
0x5d: {  	v1 =	vld [tilespmem:$0x28D0];
	_ =	sdelay $0x7  }
0x5e: {  	[tilespmem:v1+s17+$0x0] =	vst.idx.add.f32.msk $0xffff, v0  }
0x5f: {  	v1 =	vld [tilespmem:$0x28E0];
	_ =	sdelay $0x7  }
0x60: {  	[tilespmem:v1+s17+$0x0] =	vst.idx.add.f32.msk $0xffff, v0  }
0x61: {  	v1 =	vld [tilespmem:$0x28F0];
	_ =	sdelay $0x7  }
0x62: {  	[tilespmem:v1+s17+$0x0] =	vst.idx.add.f32.msk $0xffff, v0  }
0x63: {  	_ =	swait.ge [sflag:s25], $0x4000  }
0x64: {  	[sflag:s25] =	ssyncset.done $0x0  }
0x65: {  	s31 =	simm.s32 $0x0;
	[sflag:s25] =	ssyncadd.s32 $0xFFFFC000  }
0x66: {  	[tilespmem:s20], [sflag:$0x1] =	stream.indirect.gather [spmem:s2], $0x80, s26, s19, $0xb8;
	[tilespmem:$0x1E480] =	vst v63  }
.LBB2_2:
0x67: {  	_ =	swait.ge [sflag:s21], $0x4000  }
0x68: {  	s1 =	sshra.s32 s31, $0x2;
	[sflag:s21] =	ssyncset.done $0x0  }
0x69: {  	s0 =	sadd.s32 $0x2900, s1;
	[sflag:s21] =	ssyncadd.s32 $0xFFFFC000  }
0x6a: {  	[spmem:s3] =	stream.indirect.scatter.add.f32 [tilespmem:s20], [sflag:$0x3], $0x80, s0, s19, $0xb8;
	[tilespmem:$0x1E480] =	vst v63  }
0x6b: {  	v1 =	vld [tilespmem:s1+$0x2900];
	_ =	sdelay $0x7  }
0x6c: {  	[tilespmem:v1+s17+$0x0] =	vst.idx.add.f32.msk $0xffff, v0  }
0x6d: {  	v1 =	vld [tilespmem:s1+$0x2910];
	_ =	sdelay $0x7  }
0x6e: {  	[tilespmem:v1+s17+$0x0] =	vst.idx.add.f32.msk $0xffff, v0  }
0x6f: {  	v1 =	vld [tilespmem:s1+$0x2920];
	_ =	sdelay $0x7  }
0x70: {  	[tilespmem:v1+s17+$0x0] =	vst.idx.add.f32.msk $0xffff, v0  }
0x71: {  	v1 =	vld [tilespmem:s1+$0x2930];
	_ =	sdelay $0x7  }
0x72: {  	[tilespmem:v1+s17+$0x0] =	vst.idx.add.f32.msk $0xffff, v0  }
0x73: {  	v1 =	vld [tilespmem:s1+$0x2940];
	_ =	sdelay $0x7  }
0x74: {  	[tilespmem:v1+s17+$0x0] =	vst.idx.add.f32.msk $0xffff, v0  }
0x75: {  	v1 =	vld [tilespmem:s1+$0x2950];
	_ =	sdelay $0x7  }
0x76: {  	[tilespmem:v1+s17+$0x0] =	vst.idx.add.f32.msk $0xffff, v0  }
0x77: {  	v1 =	vld [tilespmem:s1+$0x2960];
	_ =	sdelay $0x7  }
0x78: {  	[tilespmem:v1+s17+$0x0] =	vst.idx.add.f32.msk $0xffff, v0  }
0x79: {  	v1 =	vld [tilespmem:s1+$0x2970];
	_ =	sdelay $0x7  }
0x7a: {  	[tilespmem:v1+s17+$0x0] =	vst.idx.add.f32.msk $0xffff, v0  }
0x7b: {  	_ =	swait.ge [sflag:s28], $0x4000  }
0x7c: {  	[sflag:s28] =	ssyncset.done $0x0  }
0x7d: {  	s0 =	sadd.s32 $0x180, s1;
	[sflag:s28] =	ssyncadd.s32 $0xFFFFC000  }
0x7e: {  	[tilespmem:s22], [sflag:$0x2] =	stream.indirect.gather [spmem:s2], $0x80, s0, s19, $0xb8;
	[tilespmem:$0x1E480] =	vst v63  }
0x7f: {  	_ =	swait.ge [sflag:s23], $0x4000  }
0x80: {  	[sflag:s23] =	ssyncset.done $0x0  }
0x81: {  	s0 =	sadd.s32 $0x2980, s1;
	[sflag:s23] =	ssyncadd.s32 $0xFFFFC000  }
0x82: {  	[spmem:s3] =	stream.indirect.scatter.add.f32 [tilespmem:s22], [sflag:$0x4], $0x80, s0, s19, $0xb8;
	[tilespmem:$0x1E480] =	vst v63  }
0x83: {  	v1 =	vld [tilespmem:s1+$0x2980];
	_ =	sdelay $0x7  }
0x84: {  	[tilespmem:v1+s17+$0x0] =	vst.idx.add.f32.msk $0xffff, v0  }
0x85: {  	v1 =	vld [tilespmem:s1+$0x2990];
	_ =	sdelay $0x7  }
0x86: {  	[tilespmem:v1+s17+$0x0] =	vst.idx.add.f32.msk $0xffff, v0  }
0x87: {  	v1 =	vld [tilespmem:s1+$0x29A0];
	_ =	sdelay $0x7  }
0x88: {  	[tilespmem:v1+s17+$0x0] =	vst.idx.add.f32.msk $0xffff, v0  }
0x89: {  	v1 =	vld [tilespmem:s1+$0x29B0];
	_ =	sdelay $0x7  }
0x8a: {  	[tilespmem:v1+s17+$0x0] =	vst.idx.add.f32.msk $0xffff, v0  }
0x8b: {  	v1 =	vld [tilespmem:s1+$0x29C0];
	_ =	sdelay $0x7  }
0x8c: {  	[tilespmem:v1+s17+$0x0] =	vst.idx.add.f32.msk $0xffff, v0  }
0x8d: {  	v1 =	vld [tilespmem:s1+$0x29D0];
	_ =	sdelay $0x7  }
0x8e: {  	[tilespmem:v1+s17+$0x0] =	vst.idx.add.f32.msk $0xffff, v0  }
0x8f: {  	v1 =	vld [tilespmem:s1+$0x29E0];
	_ =	sdelay $0x7  }
0x90: {  	[tilespmem:v1+s17+$0x0] =	vst.idx.add.f32.msk $0xffff, v0  }
0x91: {  	v1 =	vld [tilespmem:s1+$0x29F0];
	_ =	sdelay $0x5  }
0x92: {  	p0 =	seq.s32 s31, $0x9800  }
.Ltmp2:
0x93: {  	_ = 	snop;
	(pc) =	sbr.rel @p0 .LBB2_4-.Ltmp2, $4  }
0x94: {  	[tilespmem:v1+s17+$0x0] =	vst.idx.add.f32.msk $0xffff, v0  }
0x95: {  	_ =	swait.ge [sflag:s25], $0x4000  }
0x96: {  	[sflag:s25] =	ssyncset.done $0x0  }
0x97: {  	[sflag:s25] =	ssyncadd.s32 $0xFFFFC000  }
.Ltmp3:
0x98: {  	(pc) =	sbr.rel .LBB2_2-.Ltmp3, $3  }
0x99: {  	_ =	sdelay $0x1  }
0x9a: {  	s0 =	sadd.s32 $0x200, s1;
	s31 =	sadd.s32 $0x400, s31  }
0x9b: {  	[tilespmem:s20], [sflag:$0x1] =	stream.indirect.gather [spmem:s2], $0x80, s0, s19, $0xb8;
	[tilespmem:$0x1E480] =	vst v63  }
.LBB2_5:
0x9c: {  	_ =	sfence.sel $0x180000  }
0x9d: {  	[bflag:$0x0] =	sbarrier.arrive $0xFFFF  }
0x9e: {  	_ =	strace $0x90000047  }
0x9f: {  	s0 =	stileid.u32;
	[bflag:$0x2] =	sbarrier.arrive $0xFFFF  }
0xa0: {  	p0 =	sne.s32 s0, $0x0;
	s0 =	rddreg [dreg:$0x4]  }
0xa1: {  	s0 =	sadd.s32 @!p0 $0x100000, s0  }
0xa2: {  	[sflag:s0] =	ssyncadd.tile.s32 @!p0 $0x1;
	_ =	shalt  }
.Lfunc_end2:
_tile_overlayer_lowered:
.L_overlay_start_2:
0xa3: {  	(tag) =	ssettag $0x2  }
0xa4: {  	s0 =	rddreg [dreg:$0x0];
	s2 =	stileid.u32  }
0xa5: {  	s1 =	rddreg [dreg:$0x1];
	p0 =	sne.s32 s2, $0x0  }
0xa6: {  	s3 =	rddreg [dreg:$0x2];
	[bflag:$0x3] =	sbarrier.arrive $0xFFFF;
	s2 =	simm.s32 @!p0 $0x1C05  }
0xa7: {  	[timem:s3], [sflag:s2] =	dma.local @!p0 [hbm:s0], s1  }
0xa8: {  	s0 =	simm.s32 @!p0 $0x5  }
0xa9: {  	_ =	swait.ge @!p0 [sflag:s0], s1  }
0xaa: {  	s1 =	ssub.s32 @!p0 $0x0, s1;
	[sflag:s0] =	ssyncset.done @!p0 $0x0  }
0xab: {  	[sflag:s0] =	ssyncadd.s32 @!p0 s1  }
0xac: {  	[bflag:$0x3] =	sbarrier.arrive $0xFFFF  }
0xad: {  	_ =	shalt  }

// kernel: kernel.9.cloned.1.call-start
scs
__scs_entry_jumppad:
0x0: {  	(pc) =	sbr.rel $0x88, $3  }
0x1: {  	(tag) =	ssettag $0x0;
	lr =	simm.s32 $0x1  }
0x2: {  	[smem:$0x3F98] =	sst lr;
	_ =	strace $0xD0000000  }
0x3: {  	_ = 	snop  }
0x4: {  	_ = 	snop  }
0x5: {  	_ = 	snop  }
0x6: {  	_ = 	snop  }
0x7: {  	_ = 	snop  }
__scs_overlays_trampoline_lowered:
0x8: {  	[smem:$0x3FA7] =	sst s0  }
0x9: {  	[smem:$0x3FA8] =	sst s1  }
0xa: {  	[smem:$0x3FA9] =	sst s2  }
0xb: {  	[smem:$0x3FAA] =	sst s3  }
0xc: {  	[smem:$0x3FAB] =	sst s4  }
0xd: {  	[smem:$0x3FAC] =	sst s5  }
0xe: {  	[smem:$0x3FAD] =	sst s6  }
0xf: {  	[smem:$0x3FAE] =	sst s7  }
0x10: {  	[smem:$0x3FAF] =	sst s8  }
0x11: {  	[smem:$0x3FB0] =	sst s9;
	s0 =	simm.s32 @!p0 $0x0  }
0x12: {  	s1 =	sld [smem:$0x3F96];
	s0 =	simm.s32 @p0 $0x1  }
0x13: {  	[smem:$0x3FB1] =	sst s0;
	s0 =	simm.s32 @!p1 $0x0  }
0x14: {  	s2 =	sld [smem:$0x3F95];
	s0 =	simm.s32 @p1 $0x1  }
0x15: {  	[smem:$0x3FB2] =	sst s0;
	s0 =	simm.s32 @!p2 $0x0  }
0x16: {  	s3 =	sld [smem:$0x3FDB];
	s0 =	simm.s32 @p2 $0x1  }
0x17: {  	s4 =	simm.s32 $0x1BF5;
	[smem:$0x3FB4] =	sst s0  }
0x18: {  	s0 =	sld [smem:$0x3F97];
	_ =	swait.ge [sflag:s4], $0x0  }
0x19: {  	s7 =	sld [smem:$0x3F98]  }
0x1a: {  	s8 =	sadd.s32 $0xFFFFE003, lr  }
0x1b: {  	s9 =	sadd.s32 $0xFFFFFEF7, lr;
	s5 =	simm.s32 $0xFFFFFFFF;
	p2 =	slt.u32 s8, $0xFFFFF086  }
0x1c: {  	p1 =	slt.u32 s9, $0xF7A;
	s5 =	simm.s32 @!p2 $0x0  }
0x1d: {  	s5 =	simm.s32 @p1 $0x1;
	p0 =	seq.s32 s7, s2  }
0x1e: {  	s7 =	smul.u32 @!p0 $0xF7A, s2;
	p2 =	seq.s32 @!p0 s5, $0x0  }
0x1f: {  	s9 =	smul.u32 $0xF7A, s1;
	s8 =	simm.s32 @!p0 $0x1BF5;
	p2 =	por !p2, p0  }
0x20: {  	[sflag:s8] =	ssyncset.s32 @!p0 $0xFFFFF086;
	s6 =	sadd.s32 @!p0 s3, s7;
	s7 =	simm.s32 @!p0 $0x108  }
0x21: {  	s3 =	sadd.s32 s3, s9;
	s6 =	sadd.s32 @!p0 $0x88, s6;
	s7 =	simm.s32 @p2 $0x1082  }
0x22: {  	[simem:s7], [sflag:s8] =	dma.local @!p0 [hbm:s6], $0xF7A  }
0x23: {  	s9 =	sor.u32 $0xD0000000, s2;
	s6 =	simm.s32 $0x108;
	_ =	swait.ge @!p0 [sflag:s8], $0x0  }
0x24: {  	s3 =	sadd.s32 $0x88, s3;
	s6 =	simm.s32 @!p1 $0x1082;
	[sflag:s4] =	ssyncset.s32 $0xFFFFF086  }
0x25: {  	[simem:s6], [sflag:s4] =	dma.local [hbm:s3], $0xF7A  }
0x26: {  	[smem:$0x3F98] =	sst s1;
	(tag) =	ssettag s2;
	_ =	strace s9  }
0x27: {  	s1 =	sld [smem:$0x3FA8]  }
0x28: {  	s2 =	sld [smem:$0x3FA9]  }
0x29: {  	s4 =	sld [smem:$0x3FAB]  }
0x2a: {  	p0 =	seq.s32 s5, $0x0;
	s5 =	sld [smem:$0x3FAC]  }
0x2b: {  	s6 =	sld [smem:$0x3FAD]  }
0x2c: {  	s7 =	sld [smem:$0x3FAE]  }
0x2d: {  	s3 =	simm.s32 $0x108;
	s8 =	sld [smem:$0x3FAF]  }
0x2e: {  	s3 =	simm.s32 @!p0 $0x1082;
	s9 =	sld [smem:$0x3FB0]  }
0x2f: {  	lr =	sadd.s32 s0, s3;
	s0 =	sld [smem:$0x3FA7]  }
0x30: {  	s3 =	sld [smem:$0x3FAA]  }
0x31: {  	[smem:$0x3FB3] =	sst s10  }
0x32: {  	s10 =	sld [smem:$0x3FB1];
	_ =	sdelay $0x3  }
0x33: {  	p0 =	seq.s32 s10, $0x1;
	s10 =	sld [smem:$0x3FB3];
	_ =	sdelay $0x3  }
0x34: {  	[smem:$0x3FB3] =	sst s10  }
0x35: {  	s10 =	sld [smem:$0x3FB2];
	_ =	sdelay $0x3  }
0x36: {  	p1 =	seq.s32 s10, $0x1;
	s10 =	sld [smem:$0x3FB3];
	_ =	sdelay $0x3  }
0x37: {  	[smem:$0x3FB3] =	sst s10  }
0x38: {  	s10 =	sld [smem:$0x3FB4]  }
0x39: {  	_ = 	snop;
	(pc) =	sbr.ind lr, $3  }
0x3a: {  	_ = 	snop  }
0x3b: {  	_ = 	snop  }
0x3c: {  	p2 =	seq.s32 s10, $0x1;
	s10 =	sld [smem:$0x3FB3]  }
0x3d: {  	_ =	shalt  }
0x3e: {  	_ =	shalt  }
0x3f: {  	_ =	shalt  }
0x40: {  	_ =	shalt  }
0x41: {  	_ =	shalt  }
0x42: {  	_ =	shalt  }
0x43: {  	_ =	shalt  }
0x44: {  	_ =	shalt  }
0x45: {  	_ =	shalt  }
0x46: {  	_ =	shalt  }
0x47: {  	_ =	shalt  }
0x48: {  	_ =	shalt  }
0x49: {  	_ =	shalt  }
0x4a: {  	_ =	shalt  }
0x4b: {  	_ =	shalt  }
0x4c: {  	_ =	shalt  }
0x4d: {  	_ =	shalt  }
0x4e: {  	_ =	shalt  }
0x4f: {  	_ =	shalt  }
0x50: {  	_ =	shalt  }
0x51: {  	_ =	shalt  }
0x52: {  	_ =	shalt  }
0x53: {  	_ =	shalt  }
0x54: {  	_ =	shalt  }
0x55: {  	_ =	shalt  }
0x56: {  	_ =	shalt  }
0x57: {  	_ =	shalt  }
0x58: {  	_ =	shalt  }
0x59: {  	_ =	shalt  }
0x5a: {  	_ =	shalt  }
0x5b: {  	_ =	shalt  }
0x5c: {  	_ =	shalt  }
0x5d: {  	_ =	shalt  }
0x5e: {  	_ =	shalt  }
0x5f: {  	_ =	shalt  }
0x60: {  	_ =	shalt  }
0x61: {  	_ =	shalt  }
0x62: {  	_ =	shalt  }
0x63: {  	_ =	shalt  }
0x64: {  	_ =	shalt  }
0x65: {  	_ =	shalt  }
0x66: {  	_ =	shalt  }
0x67: {  	_ =	shalt  }
0x68: {  	_ =	shalt  }
0x69: {  	_ =	shalt  }
0x6a: {  	_ =	shalt  }
0x6b: {  	_ =	shalt  }
0x6c: {  	_ =	shalt  }
0x6d: {  	_ =	shalt  }
0x6e: {  	_ =	shalt  }
0x6f: {  	_ =	shalt  }
0x70: {  	_ =	shalt  }
0x71: {  	_ =	shalt  }
0x72: {  	_ =	shalt  }
0x73: {  	_ =	shalt  }
0x74: {  	_ =	shalt  }
0x75: {  	_ =	shalt  }
0x76: {  	_ =	shalt  }
0x77: {  	_ =	shalt  }
0x78: {  	_ =	shalt  }
0x79: {  	_ =	shalt  }
0x7a: {  	_ =	shalt  }
0x7b: {  	_ =	shalt  }
0x7c: {  	_ =	shalt  }
0x7d: {  	_ =	shalt  }
0x7e: {  	_ =	shalt  }
0x7f: {  	_ =	shalt  }
0x80: {  	_ =	shalt  }
0x81: {  	_ =	shalt  }
0x82: {  	_ =	shalt  }
0x83: {  	_ =	shalt  }
0x84: {  	_ =	shalt  }
0x85: {  	_ =	shalt  }
0x86: {  	_ =	shalt  }
0x87: {  	_ =	shalt  }
.Lfunc_end0:
.L_simem_size_0:
called_computation.1_lowered:
.L_overlay_start_0:
0x88: {  	s2 =	sld [smem:$0x3FD9]  }
0x89: {  	s3 =	sld [smem:$0x3FFE];
	_ =	sdelay $0x1  }
0x8a: {  	s1 =	srdreg.scid  }
0x8b: {  	s0 =	sand.u32 $0x1, s1  }
0x8c: {  	s17 =	sshll.u32 s0, $0xA;
	s2 =	sadd.s32 s3, s2  }
0x8d: {  	s2 =	sadd.s32 s2, s17  }
0x8e: {  	[smem:$0x3FBF] =	sst s2  }
0x8f: {  	_ = 	snop  }
0x90: {  	s2 =	sld [smem:$0x3FD0];
	(tm) =	ssettm $0x1  }
0x91: {  	s18 =	sld [smem:$0x3FFB];
	_ =	sdelay $0x3  }
0x92: {  	_ =	strace s18  }
0x93: {  	s3 =	sld [smem:$0x3FFC];
	_ =	sdelay $0x3  }
0x94: {  	_ =	strace s3  }
0x95: {  	s3 =	sld [smem:$0x3FFD];
	_ =	sdelay $0x3  }
0x96: {  	_ =	strace s3  }
0x97: {  	_ =	strace $0x8FFFFFFF  }
0x98: {  	s19 =	sld [smem:$0x3FDB];
	_ =	sdelay $0x1  }
0x99: {  	s4 =	simm.s32 $_scs_section_size  }
0x9a: {  	s5 =	simm.s32 $_size__tile_overlayer_lowered;
	s6 =	simm.s32 $_tile_overlayer_lowered  }
0x9b: {  	s22 =	simm.s32 $0x1BFF;
	s21 =	sshll.u32 s6, $0x1;
	s3 =	sadd.s32 s4, s19  }
0x9c: {  	s7 =	simm.s32 $0x0;
	s20 =	sshll.u32 s5, $0x1;
	s5 =	sadd.s32 s21, s3  }
0x9d: {  	[timem:s7], [sflag:s22] =	dma.local [hbm:s5], s20  }
0x9e: {  	_ =	swait.ge [sflag:s22], s20  }
0x9f: {  	s4 =	ssub.s32 $0x0, s20;
	[sflag:s22] =	ssyncset.done $0x0  }
0xa0: {  	[sflag:s22] =	ssyncadd.s32 s4;
	_ =	sdelay $0x1  }
0xa1: {  	s23 =	simm.s32 $0x1B8B  }
0xa2: {  	_ =	swait.ge [sflag:s23], $0x1  }
0xa3: {  	[sflag:s23] =	ssyncset.done $0x0  }
0xa4: {  	s25 =	simm.s32 $0x1B8E;
	s24 =	sld [smem:$0x3FFE];
	[sflag:s23] =	ssyncadd.s32 $0xFFFFFFFF  }
0xa5: {  	s26 =	simm.s32 $execute0_lowered;
	[smem:$0x3FD2] =	sst s25  }
0xa6: {  	s5 =	sshll.u32 s26, $0x1;
	_ =	strace $0x80000049;
	[dreg:$0x1] =	wrdreg $0xFFFFFFFF  }
0xa7: {  	s28 =	simm.s32 $_size_execute0_lowered;
	s3 =	sadd.s32 s3, s5;
	[dreg:$0x0] =	wrdreg $0x0  }
0xa8: {  	s5 =	sshll.u32 s28, $0x1;
	[dreg:$0x2] =	wrdreg s3  }
0xa9: {  	[dreg:$0x3] =	wrdreg s5  }
0xaa: {  	[dreg:$0x4] =	wrdreg $0xC0  }
0xab: {  	_ =	task [dreg:s7], $0x5FFFF  }
0xac: {  	[dreg:$0x1] =	wrdreg $0xFFFFFFFF  }
0xad: {  	[dreg:$0x0] =	wrdreg $0x60  }
0xae: {  	[dreg:$0x2] =	wrdreg s24  }
0xaf: {  	[dreg:$0x3] =	wrdreg s2  }
0xb0: {  	[dreg:$0x4] =	wrdreg $0x114800  }
0xb1: {  	[dreg:$0x5] =	wrdreg $0x134800  }
0xb2: {  	[dreg:$0x6] =	wrdreg $0x9  }
0xb3: {  	_ =	task.clear_ibuf [dreg:s7], $0x7FFFF;
	_ =	strace $0x90000049  }
0xb4: {  	s29 =	simm.s32 $0x9;
	_ =	strace $0x8000004B  }
0xb5: {  	_ =	swait.ge [sflag:s29], $0x1  }
0xb6: {  	[sflag:s29] =	ssyncadd.s32 $0xFFFFFFFF  }
0xb7: {  	_ =	strace $0x9000004B  }
0xb8: {  	_ =	sfence  }
0xb9: {  	s30 =	sld [smem:$0x0];
	_ =	sdelay $0x2  }
0xba: {  	s31 =	sshll.u32 s1, $0xD;
	s1 =	sshrl.u32 s1, $0x2  }
0xbb: {  	s3 =	sand.u32 $0x4000, s31;
	s1 =	sadd.s32 s1, s30  }
0xbc: {  	s0 =	sor.u32 s3, s0;
	s1 =	sshll.u32 s1, $0x11  }
0xbd: {  	s0 =	sor.u32 s1, s0  }
0xbe: {  	s0 =	sadd.s32 $0x8F2B, s0  }
0xbf: {  	[sflag:s0] =	ssyncadd.remote.s32 $0x1  }
0xc0: {  	_ =	sfence.sel $0xFFFF  }
0xc1: {  	[dreg:$0x0] =	wrdreg $0xFFFFFFFF;
	(pc) =	sbr.abs _section_cstart, $3  }
0xc2: {  	[dreg:$0x1] =	wrdreg $0xFFFFFFFF  }
0xc3: {  	_ =	task.clear_ibuf [dreg:s7], $0x2FFFF;
	_ =	strace $0x9FFFFFFF  }
0xc4: {  	(tm) =	ssettm $0x7FFFFFFF  }
0xc5: {  	_ =	shalt  }
tec
execute0_lowered:
.L_overlay_start_1:
0x0: {  	(tag) =	ssettag $0x1  }
0x1: {  	s0 =	rddreg [dreg:$0x0]  }
0x2: {  	s1 =	rddreg [dreg:$0x1]  }
0x3: {  	s2 =	rddreg [dreg:$0x2]  }
0x4: {  	s3 =	rddreg [dreg:$0x3];
	s4 =	simm.s32 $0x0;
	s16 =	stileid.u32  }
0x5: {  	s6 =	srdreg.scid;
	s28 =	simm.s32 $0x3;
	s29 =	simm.s32 $0x4  }
0x6: {  	s30 =	simm.s32 $0x5;
	s31 =	simm.s32 $0x6;
	[smem:$0x7FF] =	sst s4  }
0x7: {  	s5 =	sshll.u32 s16, $0xA;
	s6 =	sand.u32 $0x1, s6;
	s7 =	sshll.u32 s16, $0x1  }
0x8: {  	s8 =	smul.u32 $0x2400, s16;
	s13 =	sshrl.u32 s16, $0x2;
	s18 =	sadd.s32 $0x16800, s0  }
0x9: {  	s19 =	smul.u32 $0x9000, s16;
	s23 =	sshll.u32 s16, $0x6;
	s24 =	sshll.u32 s16, $0xD  }
0xa: {  	_ =	strace $0x8000004A;
	s5 =	sadd.s32 s5, s0;
	s11 =	smul.u32 $0x24000, s6  }
0xb: {  	s7 =	sor.u32 s6, s7;
	s17 =	smul.u32 $0x2400, s13;
	[dreg:$0x5] =	wrdreg s18  }
0xc: {  	s6 =	ssub.s32 $0x2, s6;
	s16 =	sadd.s32 s24, s2;
	s24 =	simm.s32 $0x1  }
0xd: {  	s10 =	sshll.u32 s7, $0x8;
	s9 =	sshrl.u32 s8, $0x3;
	s7 =	sshll.u32 s7, $0x7  }
0xe: {  	s21 =	sshrl.u32 s6, $0x1;
	s22 =	sshrl.u32 s19, $0x2;
	s5 =	sadd.s32 $0x2000, s5  }
0xf: {  	s16 =	sshrl.u32 s16, $0x3;
	s19 =	simm.s32 $0x80;
	s12 =	sadd.s32 s10, s0  }
0x10: {  	s9 =	sadd.s32 s9, s0;
	s8 =	sadd.s32 s8, s11;
	s7 =	sand.u32 $0x380, s7  }
0x11: {  	s14 =	ssub.s32 s6, s21;
	s15 =	sadd.s32 s22, s3;
	[dreg:$0x7] =	wrdreg s5  }
0x12: {  	s1 =	sadd.s32 s1, s10;
	s21 =	simm.s32 $0x5000;
	s22 =	simm.s32 $0x0  }
0x13: {  	s8 =	sshrl.u32 s8, $0x3;
	s7 =	sor.u32 s17, s7;
	s25 =	sadd.s32 $0x12000, s9  }
0x14: {  	s26 =	sadd.s32 $0x4BE00, s12;
	[dreg:$0x9] =	wrdreg s1;
	s13 =	smax.u32 s14, $0x1  }
0x15: {  	s14 =	sshrl.u32 s15, $0x3;
	s15 =	simm.s32 $0x9;
	s17 =	simm.s32 $0x11000  }
.Ltmp0:
0x16: {  	s1 =	simm.s32 $0x8;
	[dreg:$0x6] =	wrdreg s25;
	(pc) =	sbr.rel .LBB2_1-.Ltmp0, $4  }
0x17: {  	s20 =	sadd.s32 s8, s0;
	s7 =	sshrl.u32 s7, $0x3;
	[dreg:$0x8] =	wrdreg s26  }
0x18: {  	s25 =	simm.s32 $0xD000;
	s26 =	simm.s32 $0x2;
	s0 =	sadd.s32 s7, s0  }
0x19: {  	s7 =	sor.u32 $0x1C09, s23;
	s12 =	sadd.s32 $0x17C00, s20;
	s20 =	simm.s32 $0x1000  }
0x1a: {  	v0 =	vimm.f32 $1.000000000e+00;
	s23 =	simm.s32 $0x9000;
	s11 =	sadd.s32 $0x16A00, s0;
	s0 =	simm.s32 $0x7  }
.LBB2_4:
0x1b: {  	_ =	swait.ge [sflag:s30], $0x4000  }
0x1c: {  	[sflag:s30] =	ssyncset.done $0x0  }
0x1d: {  	[sflag:s30] =	ssyncadd.s32 $0xFFFFC000  }
0x1e: {  	_ =	swait.ge [sflag:s31], $0x4000  }
0x1f: {  	[sflag:s31] =	ssyncset.done $0x0  }
0x20: {  	[sflag:s31] =	ssyncadd.s32 $0xFFFFC000  }
0x21: {  	_ =	swait.ge [sflag:s0], $0x4000  }
0x22: {  	[sflag:s0] =	ssyncset.done $0x0  }
0x23: {  	[sflag:s0] =	ssyncadd.s32 $0xFFFFC000  }
0x24: {  	_ =	swait.ge [sflag:s1], $0x4000  }
0x25: {  	[sflag:s1] =	ssyncset.done $0x0  }
0x26: {  	s5 =	simm.s32 $0x400;
	[sflag:s1] =	ssyncadd.s32 $0xFFFFC000  }
0x27: {  	[hbm4b:s11+s19] =	stream.strided.scatter [tilespmem:s17], [sflag:$0x9], $0x480, s5, s19, $0x38;
	[tilespmem:$0x15880] =	vst v63  }
0x28: {  	_ =	swait.ge [sflag:s15], $0x480  }
0x29: {  	s22 =	sadd.s32 $0x1, s22;
	[sflag:s15] =	ssyncset.done $0x0  }
0x2a: {  	p0 =	sne.s32 s22, s13;
	[sflag:s15] =	ssyncadd.s32 $0xFFFFFB80  }
.Ltmp1:
0x2b: {  	[bflag:$0x0] =	sbarrier.arrive $0xFFFF;
	(pc) =	sbr.rel @!p0 .LBB2_5-.Ltmp1, $4  }
0x2c: {  	[hbm:s12], [sflag:s7] =	dma.local [spmem:s14], $0x480  }
0x2d: {  	_ =	swait.ge [sflag:s15], $0x480  }
0x2e: {  	[sflag:s15] =	ssyncset.done $0x0  }
0x2f: {  	[sflag:s15] =	ssyncadd.s32 $0xFFFFFB80  }
.LBB2_1:
0x30: {  	s5 =	rddreg [dreg:$0x6]  }
0x31: {  	[spmem:s14], [sflag:s7] =	dma.local [hbm:s5], $0x480  }
0x32: {  	_ =	swait.ge [sflag:s15], $0x480  }
0x33: {  	[sflag:s15] =	ssyncset.done $0x0  }
0x34: {  	s6 =	rddreg [dreg:$0x7];
	[sflag:s15] =	ssyncadd.s32 $0xFFFFFB80  }
0x35: {  	[spmem:s16], [sflag:s7] =	dma.local [hbm:s6], $0x400  }
0x36: {  	_ =	swait.ge [sflag:s15], $0x400  }
0x37: {  	[sflag:s15] =	ssyncset.done $0x0  }
0x38: {  	s8 =	rddreg [dreg:$0x5];
	[sflag:s15] =	ssyncadd.s32 $0xFFFFFC00  }
0x39: {  	[tilespmem:s17], [sflag:$0x9] =	stream.linear.gather [hbm4b:s8+s4], $0x480, $0x38;
	[tilespmem:$0x15880] =	vst v63  }
0x3a: {  	_ =	swait.ge [sflag:s15], $0x480  }
0x3b: {  	[sflag:s15] =	ssyncset.done $0x0  }
0x3c: {  	s9 =	rddreg [dreg:$0x8];
	[sflag:s15] =	ssyncadd.s32 $0xFFFFFB80  }
0x3d: {  	[tilespmem:s4], [sflag:$0x9] =	stream.linear.gather [hbm4b:s9+s4], $0x800, $0x38;
	[tilespmem:$0x15880] =	vst v63  }
0x3e: {  	_ =	swait.ge [sflag:s15], $0x800  }
0x3f: {  	[sflag:s15] =	ssyncset.done $0x0  }
0x40: {  	s6 =	simm.s32 $0x800;
	s10 =	rddreg [dreg:$0x9];
	[sflag:s15] =	ssyncadd.s32 $0xFFFFF800  }
0x41: {  	[tilespmem:s6], [sflag:$0x9] =	stream.linear.gather [hbm4b:s10+s4], $0x800, $0x38;
	[tilespmem:$0x15880] =	vst v63  }
0x42: {  	_ =	swait.ge [sflag:s15], $0x800  }
0x43: {  	[sflag:s15] =	ssyncset.done $0x0  }
0x44: {  	[sflag:s15] =	ssyncadd.s32 $0xFFFFF800  }
0x45: {  	[bflag:$0x0] =	sbarrier.arrive $0xFFFF  }
0x46: {  	[tilespmem:s20], [sflag:$0x1] =	stream.indirect.gather [spmem:s2], $0x80, s4, s19, $0xb8;
	[tilespmem:$0x15880] =	vst v63  }
0x47: {  	_ = 	snop  }
0x48: {  	[tilespmem:s21], [sflag:$0x2] =	stream.indirect.gather [spmem:s2], $0x80, s19, s19, $0xb8;
	[tilespmem:$0x15880] =	vst v63  }
0x49: {  	s18 =	simm.s32 $0x100  }
0x4a: {  	[tilespmem:s23], [sflag:$0x3] =	stream.indirect.gather [spmem:s2], $0x80, s18, s19, $0xb8;
	[tilespmem:$0x15880] =	vst v63  }
0x4b: {  	s18 =	simm.s32 $0x0  }
.LBB2_2:
0x4c: {  	_ =	swait.ge [sflag:s24], $0x4000  }
0x4d: {  	s5 =	sshra.s32 s18, $0x2;
	[sflag:s24] =	ssyncset.done $0x0  }
0x4e: {  	s6 =	sadd.s32 $0x800, s5;
	[sflag:s24] =	ssyncadd.s32 $0xFFFFC000  }
0x4f: {  	[spmem:s3] =	stream.indirect.scatter.add.f32 [tilespmem:s20], [sflag:$0x5], $0x80, s6, s19, $0xb8;
	[tilespmem:$0x15880] =	vst v63  }
0x50: {  	v1 =	vld [tilespmem:s5+$0x800];
	_ =	sdelay $0x7  }
0x51: {  	[tilespmem:v1+s17+$0x0] =	vst.idx.add.f32.msk $0xffff, v0  }
0x52: {  	v1 =	vld [tilespmem:s5+$0x810];
	_ =	sdelay $0x7  }
0x53: {  	[tilespmem:v1+s17+$0x0] =	vst.idx.add.f32.msk $0xffff, v0  }
0x54: {  	v1 =	vld [tilespmem:s5+$0x820];
	_ =	sdelay $0x7  }
0x55: {  	[tilespmem:v1+s17+$0x0] =	vst.idx.add.f32.msk $0xffff, v0  }
0x56: {  	v1 =	vld [tilespmem:s5+$0x830];
	_ =	sdelay $0x7  }
0x57: {  	[tilespmem:v1+s17+$0x0] =	vst.idx.add.f32.msk $0xffff, v0  }
0x58: {  	v1 =	vld [tilespmem:s5+$0x840];
	_ =	sdelay $0x7  }
0x59: {  	[tilespmem:v1+s17+$0x0] =	vst.idx.add.f32.msk $0xffff, v0  }
0x5a: {  	v1 =	vld [tilespmem:s5+$0x850];
	_ =	sdelay $0x7  }
0x5b: {  	[tilespmem:v1+s17+$0x0] =	vst.idx.add.f32.msk $0xffff, v0  }
0x5c: {  	v1 =	vld [tilespmem:s5+$0x860];
	_ =	sdelay $0x7  }
0x5d: {  	[tilespmem:v1+s17+$0x0] =	vst.idx.add.f32.msk $0xffff, v0  }
0x5e: {  	v1 =	vld [tilespmem:s5+$0x870];
	_ =	sdelay $0x6  }
0x5f: {  	p0 =	seq.s32 s18, $0x0  }
0x60: {  	s6 =	simm.s32 @!p0 $0x8;
	[tilespmem:v1+s17+$0x0] =	vst.idx.add.f32.msk $0xffff, v0  }
0x61: {  	_ =	swait.ge @!p0 [sflag:s6], $0x4000  }
0x62: {  	[sflag:s6] =	ssyncset.done @!p0 $0x0  }
0x63: {  	s8 =	sadd.s32 $0x180, s5;
	[sflag:s6] =	ssyncadd.s32 @!p0 $0xFFFFC000  }
0x64: {  	[tilespmem:s25], [sflag:$0x4] =	stream.indirect.gather [spmem:s2], $0x80, s8, s19, $0xb8;
	[tilespmem:$0x15880] =	vst v63  }
0x65: {  	_ =	swait.ge [sflag:s26], $0x4000  }
0x66: {  	[sflag:s26] =	ssyncset.done $0x0  }
0x67: {  	s9 =	sadd.s32 $0x880, s5;
	[sflag:s26] =	ssyncadd.s32 $0xFFFFC000  }
0x68: {  	[spmem:s3] =	stream.indirect.scatter.add.f32 [tilespmem:s21], [sflag:$0x6], $0x80, s9, s19, $0xb8;
	[tilespmem:$0x15880] =	vst v63  }
0x69: {  	v1 =	vld [tilespmem:s5+$0x880];
	_ =	sdelay $0x7  }
0x6a: {  	[tilespmem:v1+s17+$0x0] =	vst.idx.add.f32.msk $0xffff, v0  }
0x6b: {  	v1 =	vld [tilespmem:s5+$0x890];
	_ =	sdelay $0x7  }
0x6c: {  	[tilespmem:v1+s17+$0x0] =	vst.idx.add.f32.msk $0xffff, v0  }
0x6d: {  	v1 =	vld [tilespmem:s5+$0x8A0];
	_ =	sdelay $0x7  }
0x6e: {  	[tilespmem:v1+s17+$0x0] =	vst.idx.add.f32.msk $0xffff, v0  }
0x6f: {  	v1 =	vld [tilespmem:s5+$0x8B0];
	_ =	sdelay $0x7  }
0x70: {  	[tilespmem:v1+s17+$0x0] =	vst.idx.add.f32.msk $0xffff, v0  }
0x71: {  	v1 =	vld [tilespmem:s5+$0x8C0];
	_ =	sdelay $0x7  }
0x72: {  	[tilespmem:v1+s17+$0x0] =	vst.idx.add.f32.msk $0xffff, v0  }
0x73: {  	v1 =	vld [tilespmem:s5+$0x8D0];
	_ =	sdelay $0x7  }
0x74: {  	[tilespmem:v1+s17+$0x0] =	vst.idx.add.f32.msk $0xffff, v0  }
0x75: {  	v1 =	vld [tilespmem:s5+$0x8E0];
	_ =	sdelay $0x7  }
0x76: {  	[tilespmem:v1+s17+$0x0] =	vst.idx.add.f32.msk $0xffff, v0  }
0x77: {  	v1 =	vld [tilespmem:s5+$0x8F0];
	_ =	sdelay $0x6  }
0x78: {  	p0 =	seq.s32 s18, $0x1800  }
0x79: {  	s6 =	simm.s32 @!p0 $0x5;
	[tilespmem:v1+s17+$0x0] =	vst.idx.add.f32.msk $0xffff, v0  }
0x7a: {  	_ =	swait.ge @!p0 [sflag:s6], $0x4000  }
0x7b: {  	[sflag:s6] =	ssyncset.done @!p0 $0x0  }
0x7c: {  	[sflag:s6] =	ssyncadd.s32 @!p0 $0xFFFFC000;
	s6 =	sshra.s32 @!p0 s18, $0x2  }
0x7d: {  	s10 =	simm.s32 @!p0 $0x1000;
	s9 =	simm.s32 @!p0 $0x80;
	s8 =	sadd.s32 @!p0 $0x200, s6  }
0x7e: {  	[tilespmem:s10], [sflag:$0x1] =	stream.indirect.gather @!p0 [spmem:s2], $0x80, s8, s9, $0xb8;
	[tilespmem:$0x15880] =	vst v63  }
0x7f: {  	_ =	swait.ge [sflag:s28], $0x4000  }
0x80: {  	[sflag:s28] =	ssyncset.done $0x0  }
0x81: {  	s10 =	sadd.s32 $0x900, s5;
	[sflag:s28] =	ssyncadd.s32 $0xFFFFC000  }
0x82: {  	[spmem:s3] =	stream.indirect.scatter.add.f32 [tilespmem:s23], [sflag:$0x7], $0x80, s10, s19, $0xb8;
	[tilespmem:$0x15880] =	vst v63  }
0x83: {  	v1 =	vld [tilespmem:s5+$0x900];
	_ =	sdelay $0x7  }
0x84: {  	[tilespmem:v1+s17+$0x0] =	vst.idx.add.f32.msk $0xffff, v0  }
0x85: {  	v1 =	vld [tilespmem:s5+$0x910];
	_ =	sdelay $0x7  }
0x86: {  	[tilespmem:v1+s17+$0x0] =	vst.idx.add.f32.msk $0xffff, v0  }
0x87: {  	v1 =	vld [tilespmem:s5+$0x920];
	_ =	sdelay $0x7  }
0x88: {  	[tilespmem:v1+s17+$0x0] =	vst.idx.add.f32.msk $0xffff, v0  }
0x89: {  	v1 =	vld [tilespmem:s5+$0x930];
	_ =	sdelay $0x7  }
0x8a: {  	[tilespmem:v1+s17+$0x0] =	vst.idx.add.f32.msk $0xffff, v0  }
0x8b: {  	v1 =	vld [tilespmem:s5+$0x940];
	_ =	sdelay $0x7  }
0x8c: {  	[tilespmem:v1+s17+$0x0] =	vst.idx.add.f32.msk $0xffff, v0  }
0x8d: {  	v1 =	vld [tilespmem:s5+$0x950];
	_ =	sdelay $0x7  }
0x8e: {  	[tilespmem:v1+s17+$0x0] =	vst.idx.add.f32.msk $0xffff, v0  }
0x8f: {  	v1 =	vld [tilespmem:s5+$0x960];
	_ =	sdelay $0x7  }
0x90: {  	[tilespmem:v1+s17+$0x0] =	vst.idx.add.f32.msk $0xffff, v0  }
0x91: {  	v1 =	vld [tilespmem:s5+$0x970];
	_ =	sdelay $0x7  }
0x92: {  	s8 =	simm.s32 @!p0 $0x6;
	[tilespmem:v1+s17+$0x0] =	vst.idx.add.f32.msk $0xffff, v0  }
0x93: {  	_ =	swait.ge @!p0 [sflag:s8], $0x4000  }
0x94: {  	[sflag:s8] =	ssyncset.done @!p0 $0x0  }
0x95: {  	s6 =	sadd.s32 @!p0 $0x280, s6;
	[sflag:s8] =	ssyncadd.s32 @!p0 $0xFFFFC000;
	s8 =	simm.s32 @!p0 $0x5000  }
0x96: {  	[tilespmem:s8], [sflag:$0x2] =	stream.indirect.gather @!p0 [spmem:s2], $0x80, s6, s9, $0xb8;
	[tilespmem:$0x15880] =	vst v63  }
0x97: {  	_ =	swait.ge [sflag:s29], $0x4000  }
0x98: {  	[sflag:s29] =	ssyncset.done $0x0  }
0x99: {  	s10 =	sadd.s32 $0x980, s5;
	[sflag:s29] =	ssyncadd.s32 $0xFFFFC000  }
0x9a: {  	[spmem:s3] =	stream.indirect.scatter.add.f32 [tilespmem:s25], [sflag:$0x8], $0x80, s10, s19, $0xb8;
	[tilespmem:$0x15880] =	vst v63  }
0x9b: {  	v1 =	vld [tilespmem:s5+$0x980];
	_ =	sdelay $0x7  }
0x9c: {  	[tilespmem:v1+s17+$0x0] =	vst.idx.add.f32.msk $0xffff, v0  }
0x9d: {  	v1 =	vld [tilespmem:s5+$0x990];
	_ =	sdelay $0x7  }
0x9e: {  	[tilespmem:v1+s17+$0x0] =	vst.idx.add.f32.msk $0xffff, v0  }
0x9f: {  	v1 =	vld [tilespmem:s5+$0x9A0];
	_ =	sdelay $0x7  }
0xa0: {  	[tilespmem:v1+s17+$0x0] =	vst.idx.add.f32.msk $0xffff, v0  }
0xa1: {  	v1 =	vld [tilespmem:s5+$0x9B0];
	_ =	sdelay $0x7  }
0xa2: {  	[tilespmem:v1+s17+$0x0] =	vst.idx.add.f32.msk $0xffff, v0  }
0xa3: {  	v1 =	vld [tilespmem:s5+$0x9C0];
	_ =	sdelay $0x7  }
0xa4: {  	[tilespmem:v1+s17+$0x0] =	vst.idx.add.f32.msk $0xffff, v0  }
0xa5: {  	v1 =	vld [tilespmem:s5+$0x9D0];
	_ =	sdelay $0x7  }
0xa6: {  	[tilespmem:v1+s17+$0x0] =	vst.idx.add.f32.msk $0xffff, v0  }
0xa7: {  	v1 =	vld [tilespmem:s5+$0x9E0];
	_ =	sdelay $0x7  }
0xa8: {  	[tilespmem:v1+s17+$0x0] =	vst.idx.add.f32.msk $0xffff, v0  }
0xa9: {  	v1 =	vld [tilespmem:s5+$0x9F0];
	_ =	sdelay $0x3  }
.Ltmp2:
0xaa: {  	_ = 	snop;
	(pc) =	sbr.rel @p0 .LBB2_4-.Ltmp2, $2  }
0xab: {  	_ =	sdelay $0x2  }
0xac: {  	[tilespmem:v1+s17+$0x0] =	vst.idx.add.f32.msk $0xffff, v0  }
.Ltmp3:
0xad: {  	(pc) =	sbr.rel .LBB2_2-.Ltmp3, $4  }
0xae: {  	_ =	swait.ge [sflag:s0], $0x4000  }
0xaf: {  	[sflag:s0] =	ssyncset.done $0x0  }
0xb0: {  	s5 =	sadd.s32 $0x300, s5;
	s18 =	sadd.s32 $0x800, s18;
	[sflag:s0] =	ssyncadd.s32 $0xFFFFC000  }
0xb1: {  	[tilespmem:s23], [sflag:$0x3] =	stream.indirect.gather [spmem:s2], $0x80, s5, s19, $0xb8;
	[tilespmem:$0x15880] =	vst v63  }
.LBB2_5:
0xb2: {  	_ =	sfence.sel $0x180000  }
0xb3: {  	[bflag:$0x0] =	sbarrier.arrive $0xFFFF  }
0xb4: {  	_ =	strace $0x9000004A  }
0xb5: {  	s0 =	stileid.u32;
	[bflag:$0x2] =	sbarrier.arrive $0xFFFF  }
0xb6: {  	p0 =	sne.s32 s0, $0x0;
	s0 =	rddreg [dreg:$0x4]  }
0xb7: {  	s0 =	sadd.s32 @!p0 $0x100000, s0  }
0xb8: {  	[sflag:s0] =	ssyncadd.tile.s32 @!p0 $0x1;
	_ =	shalt  }
.Lfunc_end2:
_tile_overlayer_lowered:
.L_overlay_start_2:
0xb9: {  	(tag) =	ssettag $0x2  }
0xba: {  	s0 =	rddreg [dreg:$0x0];
	s2 =	stileid.u32  }
0xbb: {  	s1 =	rddreg [dreg:$0x1];
	p0 =	sne.s32 s2, $0x0  }
0xbc: {  	s3 =	rddreg [dreg:$0x2];
	[bflag:$0x3] =	sbarrier.arrive $0xFFFF;
	s2 =	simm.s32 @!p0 $0x1C09  }
0xbd: {  	[timem:s3], [sflag:s2] =	dma.local @!p0 [hbm:s0], s1  }
0xbe: {  	s0 =	simm.s32 @!p0 $0x9  }
0xbf: {  	_ =	swait.ge @!p0 [sflag:s0], s1  }
0xc0: {  	s1 =	ssub.s32 @!p0 $0x0, s1;
	[sflag:s0] =	ssyncset.done @!p0 $0x0  }
0xc1: {  	[sflag:s0] =	ssyncadd.s32 @!p0 s1  }
0xc2: {  	[bflag:$0x3] =	sbarrier.arrive $0xFFFF  }
0xc3: {  	_ =	shalt  }

</sc_bundles>
